<compile_context>
chip_gen: v7x
topology: tpu7x:2x2x1
jax: 0.10.2.dev20260603
libtpu: 0.0.44.dev20260713+nightly
codegen_flags: <defaults>
</compile_context>

<pallas_src>
import functools

import jax
import jax.numpy as jnp
from jax import lax
from jax.experimental import pallas as pl
from jax.experimental.pallas import tpu as pltpu
from jax.experimental.pallas import tpu_sc as plsc

_MARGIN = 1.0
_N = 4096
_D = 128
_BI = 1024
_BJ = 4096


_IDXMASK = 0xFFF
_KEYMASK = ~0xFFF


def _dist_stats_body(ap_ref, bp_ref, jrow_ref, icol_ref,
                     rkey_ref, rsum_ref, ckey_ref, csum_ref):
    i = pl.program_id(0)
    j = pl.program_id(1)
    d2 = lax.dot_general(ap_ref[...], bp_ref[...], (((1,), (1,)), ((), ())),
                         preferred_element_type=jnp.float32)
    d2 = jnp.maximum(d2, 1e-37)
    d = d2 * lax.rsqrt(d2)

    bits = lax.bitcast_convert_type(d2, jnp.int32) & _KEYMASK
    rowkeys = lax.bitcast_convert_type(bits | jrow_ref[...], jnp.float32)
    colkeys = lax.bitcast_convert_type(bits | icol_ref[...], jnp.float32)

    tkey = jnp.min(rowkeys, axis=1, keepdims=True)
    ckey = jnp.min(colkeys, axis=0, keepdims=True)
    tsum = jnp.sum(d, axis=1, keepdims=True)
    csum = jnp.sum(d, axis=0, keepdims=True)

    rs = pl.ds(i * _BI, _BI)
    cs = pl.ds(j * _BJ, _BJ)

    @pl.when(j == 0)
    def _():
        rkey_ref[rs, :] = tkey
        rsum_ref[rs, :] = tsum

    @pl.when(j != 0)
    def _():
        rkey_ref[rs, :] = jnp.minimum(tkey, rkey_ref[rs, :])
        rsum_ref[rs, :] = rsum_ref[rs, :] + tsum

    @pl.when(i == 0)
    def _():
        ckey_ref[:, cs] = ckey
        csum_ref[:, cs] = csum

    @pl.when(i != 0)
    def _():
        ckey_ref[:, cs] = jnp.minimum(ckey, ckey_ref[:, cs])
        csum_ref[:, cs] = csum_ref[:, cs] + csum


def _dist_stats(a, b):
    grid = (_N // _BI, _N // _BJ)
    col_f = pl.BlockSpec((_N, 1), lambda i, j: (0, 0))
    row_f = pl.BlockSpec((1, _N), lambda i, j: (0, 0))
    one = jnp.ones((_N, 1), jnp.float32)
    ap = jnp.concatenate([a, jnp.sum(a * a, axis=1, keepdims=True), one],
                         axis=1).astype(jnp.bfloat16)
    bp = jnp.concatenate([-2.0 * b, one, jnp.sum(b * b, axis=1, keepdims=True)],
                         axis=1).astype(jnp.bfloat16)
    jrow = jnp.arange(_N, dtype=jnp.int32)[None, :]
    icol = jnp.arange(_N, dtype=jnp.int32)[:, None]
    out = pl.pallas_call(
        _dist_stats_body,
        grid=grid,
        in_specs=[
            pl.BlockSpec((_BI, _D + 2), lambda i, j: (i, 0)),
            pl.BlockSpec((_BJ, _D + 2), lambda i, j: (j, 0)),
            pl.BlockSpec((1, _BJ), lambda i, j: (0, j)),
            pl.BlockSpec((_BI, 1), lambda i, j: (i, 0)),
        ],
        out_specs=[col_f, col_f, row_f, row_f],
        out_shape=[
            jax.ShapeDtypeStruct((_N, 1), jnp.float32),
            jax.ShapeDtypeStruct((_N, 1), jnp.float32),
            jax.ShapeDtypeStruct((1, _N), jnp.float32),
            jax.ShapeDtypeStruct((1, _N), jnp.float32),
        ],
        compiler_params=pltpu.CompilerParams(
            dimension_semantics=("arbitrary", "arbitrary"),
        ),
    )(ap, bp, jrow, icol)
    return out


def _make_pos_gather():
    nc, ns, nl = 2, 16, 16
    nw = nc * ns
    bw = _N // nw
    nchunk = _D // nl

    mesh = plsc.VectorSubcoreMesh(
        core_axis_name="c", subcore_axis_name="s", num_cores=nc)

    @functools.partial(
        pl.kernel,
        mesh=mesh,
        out_type=(jax.ShapeDtypeStruct((_N * nl,), jnp.float32),
                  jax.ShapeDtypeStruct((_N * nl,), jnp.float32)),
        scratch_types=[
            pltpu.VMEM((bw,), jnp.int32),
            pltpu.VMEM((bw,), jnp.int32),
            pltpu.VMEM((bw, _D), jnp.float32),
            pltpu.VMEM((bw, _D), jnp.float32),
            pltpu.VMEM((bw, _D), jnp.float32),
            pltpu.VMEM((bw, _D), jnp.float32),
            pltpu.VMEM((bw * nl,), jnp.float32),
            pltpu.VMEM((bw * nl,), jnp.float32),
            pltpu.SemaphoreType.DMA,
            pltpu.SemaphoreType.DMA,
        ],
    )
    def pos_gather(a_hbm, b_hbm, rkey_hbm, ckey_hbm, p1_hbm, p2_hbm,
                   idx1_v, idx2_v, rows1_v, rows2_v, own1_v, own2_v,
                   ssq1_v, ssq2_v, sem1, sem2):
        wid = lax.axis_index("s") * nc + lax.axis_index("c")
        base = wid * bw
        sl = pl.ds(base, bw)

        pltpu.sync_copy(rkey_hbm.at[sl], idx1_v)
        pltpu.sync_copy(ckey_hbm.at[sl], idx2_v)
        for c in range(bw // nl):
            cc = pl.ds(c * nl, nl)
            idx1_v[cc] = idx1_v[cc] & _IDXMASK
            idx2_v[cc] = idx2_v[cc] & _IDXMASK

        c1 = pltpu.async_copy(b_hbm.at[idx1_v], rows1_v, sem1)
        c2 = pltpu.async_copy(a_hbm.at[idx2_v], rows2_v, sem2)
        pltpu.sync_copy(a_hbm.at[sl], own1_v)
        pltpu.sync_copy(b_hbm.at[sl], own2_v)

        def side_loop(rows_v, own_v, ssq_v):
            def row_body(rr, carry):
                for k in range(4):
                    r = rr * 4 + k
                    acc = jnp.zeros((nl,), jnp.float32)
                    for c in range(nchunk):
                        dd = rows_v[r, pl.ds(c * nl, nl)] - own_v[r, pl.ds(c * nl, nl)]
                        acc = acc + dd * dd
                    ssq_v[pl.ds(r * nl, nl)] = acc
                return carry

            lax.fori_loop(0, bw // 4, row_body, 0)

        c1.wait()
        side_loop(rows1_v, own1_v, ssq1_v)
        c2.wait()
        side_loop(rows2_v, own2_v, ssq2_v)
        pltpu.sync_copy(ssq1_v, p1_hbm.at[pl.ds(base * nl, bw * nl)])
        pltpu.sync_copy(ssq2_v, p2_hbm.at[pl.ds(base * nl, bw * nl)])

    return pos_gather


_pos_gather_cache = []


def _pos_gather(*args):
    if not _pos_gather_cache:
        _pos_gather_cache.append(_make_pos_gather())
    return _pos_gather_cache[0](*args)


def _sqrt_pos(x):
    xc = jnp.maximum(x, 1e-37)
    return xc * lax.rsqrt(xc)


def _combine_body(rkey_ref, rsum_ref, p1_ref, ckey_ref, csum_ref, p2_ref,
                  mask_ref, out_ref):
    m = jnp.float32(_N)
    margin = jnp.float32(_MARGIN)
    inf = jnp.float32(jnp.inf)
    rmin2 = lax.bitcast_convert_type(
        lax.bitcast_convert_type(rkey_ref[...], jnp.int32) & _KEYMASK,
        jnp.float32)
    cmin2 = lax.bitcast_convert_type(
        lax.bitcast_convert_type(ckey_ref[...], jnp.int32) & _KEYMASK,
        jnp.float32)

    def pos_total(p_ref):
        s = p_ref[...]
        for sh in (1, 2, 4, 8):
            s = s + pltpu.roll(s, 128 - sh, 1)
        return jnp.sum(_sqrt_pos(s) * mask_ref[...])

    s_img = (jnp.sum(rsum_ref[...]) - jnp.sum(_sqrt_pos(rmin2))
             + (m - 1.0) * (m * margin - pos_total(p1_ref)) + m * inf)
    s_txt = (jnp.sum(csum_ref[...]) - jnp.sum(_sqrt_pos(cmin2))
             + (m - 1.0) * (m * margin - pos_total(p2_ref)) + m * inf)
    out_ref[0, 0] = (s_img / (m * m) + s_txt / (m * m)) / 2.0


def _combine(rkey, rsum, p1sq, ckey, csum, p2sq):
    full_f = pl.BlockSpec((_N // 128, 128), lambda: (0, 0))
    full_p = pl.BlockSpec((_N // 8, 128), lambda: (0, 0))
    mask = (jnp.arange(128, dtype=jnp.int32)[None, :] % 16 == 0
            ).astype(jnp.float32)
    return pl.pallas_call(
        _combine_body,
        in_specs=[full_f, full_f, full_p, full_f, full_f, full_p,
                  pl.BlockSpec((1, 128), lambda: (0, 0))],
        out_specs=pl.BlockSpec(memory_space=pltpu.SMEM),
        out_shape=jax.ShapeDtypeStruct((1, 1), jnp.float32),
    )(rkey, rsum, jnp.reshape(p1sq, (_N // 8, 128)),
      ckey, csum, jnp.reshape(p2sq, (_N // 8, 128)), mask)


def kernel(output1, output2):
    rkey, rsum, ckey, csum = _dist_stats(output1, output2)
    p1sq, p2sq = _pos_gather(
        output1, output2,
        lax.bitcast_convert_type(jnp.reshape(rkey, (_N,)), jnp.int32),
        lax.bitcast_convert_type(jnp.reshape(ckey, (_N,)), jnp.int32))
    g = (_N // 128, 128)
    out = _combine(jnp.reshape(rkey, g), jnp.reshape(rsum, g), p1sq,
                   jnp.reshape(ckey, g), jnp.reshape(csum, g), p2sq)
    return jnp.reshape(out, ())

# --- scband reference (transcript-rebuilt; emitter-appended) ---
"""Pipeline reference for scband-contrastive-loss-74191265071557 (READ-ONLY COPY).

The authoritative reference and input builder live on the scoring server;
editing this copy changes nothing except your own understanding.
"""

import jax, jax.numpy as jnp
import numpy as np

MARGIN = 1.0

def _cdist(a, b):
    # Euclidean pairwise distance, p=2 (same math as torch.cdist)
    a2 = jnp.sum(a * a, axis=1)[:, None]
    b2 = jnp.sum(b * b, axis=1)[None, :]
    d2 = a2 + b2 - 2.0 * (a @ b.T)
    return jnp.sqrt(jnp.maximum(d2, 0.0))

def setup_inputs(seed: int = 0) -> dict:
    key = jax.random.key(seed)
    k1, k2 = jax.random.split(key)
    output1 = jax.random.normal(k1, (4096, 128), dtype=jnp.float32)
    output2 = jax.random.normal(k2, (4096, 128), dtype=jnp.float32)
    return {"output1": output1, "output2": output2}

def reference(output1, output2):
    margin = MARGIN
    distances = _cdist(output1, output2)  # [N, M]
    N = output1.shape[0]
    M = output2.shape[0]

    # image side: for each row i, nearest output2 is the positive
    idx1 = jnp.argmin(distances, axis=1)                      # [N]
    pos1 = jnp.linalg.norm(output2[idx1] - output1, axis=1)   # [N]
    # neg_distances[i] == distances[i]; positive slot set to +inf (faithful to original)
    neg1 = distances.at[jnp.arange(N), idx1].set(jnp.inf)
    image_losses = jnp.mean(jnp.maximum(jnp.zeros_like(neg1), margin - pos1[:, None] + neg1), axis=1)

    # text side: for each column i, nearest output1 is the positive
    idx2 = jnp.argmin(distances, axis=0)                      # [M]
    pos2 = jnp.linalg.norm(output1[idx2] - output2, axis=1)   # [M]
    neg2 = distances.T.at[jnp.arange(M), idx2].set(jnp.inf)
    text_losses = jnp.mean(jnp.maximum(jnp.zeros_like(neg2), margin - pos2[:, None] + neg2), axis=1)

    return (jnp.mean(image_losses) + jnp.mean(text_losses)) / 2.0

if __name__ == "__main__":
    import jax
    _d = setup_inputs()
    print(jax.jit(kernel)(*tuple(_d.values())))

</pallas_src>

<mosaic_0001>
#map = affine_map<(d0, d1) -> (0, 0)>
#map1 = affine_map<(d0, d1) -> (0)>
module attributes {stable_mosaic.version = 14 : i64} {
  func.func @pos_gather(%arg0: i32, %arg1: i32, %arg2: memref<4096x128xf32, #tpu.memory_space<hbm>>, %arg3: memref<4096x128xf32, #tpu.memory_space<hbm>>, %arg4: memref<4096xi32, #tpu.memory_space<hbm>>, %arg5: memref<4096xi32, #tpu.memory_space<hbm>>, %arg6: memref<65536xf32, #tpu.memory_space<hbm>>, %arg7: memref<65536xf32, #tpu.memory_space<hbm>>, %arg8: memref<128xi32, #tpu.memory_space<vmem>>, %arg9: memref<128xi32, #tpu.memory_space<vmem>>, %arg10: memref<128x128xf32, #tpu.memory_space<vmem>>, %arg11: memref<128x128xf32, #tpu.memory_space<vmem>>, %arg12: memref<128x128xf32, #tpu.memory_space<vmem>>, %arg13: memref<128x128xf32, #tpu.memory_space<vmem>>, %arg14: memref<2048xf32, #tpu.memory_space<vmem>>, %arg15: memref<2048xf32, #tpu.memory_space<vmem>>, %arg16: memref<!tpu.dma_semaphore, #tpu.memory_space<semaphore_mem>>, %arg17: memref<!tpu.dma_semaphore, #tpu.memory_space<semaphore_mem>>) attributes {dimension_semantics = [#tpu.dimension_semantics<core_parallel>, #tpu.dimension_semantics<subcore_parallel>], iteration_bounds = array<i64: 2, 16>, scalar_prefetch = 0 : i64, scratch_operands = 10 : i64, tpu.core_type = #tpu.core_type<sc_vector_subcore>, window_params = [{transform_indices = #map}, {transform_indices = #map}, {transform_indices = #map1}, {transform_indices = #map1}, {transform_indices = #map1}, {transform_indices = #map1}]} {
    %mul3A = arith.constant 2 : i32
    %mul3A_0 = arith.muli %arg1, %mul3A : i32
    %add3A = arith.addi %mul3A_0, %arg0 : i32
    %mul3A_1 = arith.constant 128 : i32
    %mul3A_2 = arith.muli %add3A, %mul3A_1 : i32
    "tpu.region"() ({
      %run_scoped3A = tpu.sem_alloc : memref<!tpu.dma_semaphore, #tpu.memory_space<semaphore_mem>>
      %dma_start3A_185 = tpu.memref_slice %arg4[%mul3A_2] : memref<4096xi32, #tpu.memory_space<hbm>> -> memref<128xi32, #tpu.memory_space<hbm>>
      %dma_start3A_186 = tpu.memref_slice %arg4[%mul3A_2] : memref<4096xi32, #tpu.memory_space<hbm>> -> memref<128xi32, #tpu.memory_space<hbm>>
      tpu.enqueue_dma source(%dma_start3A_186 : memref<128xi32, #tpu.memory_space<hbm>>) target(%arg8 : memref<128xi32, #tpu.memory_space<vmem>>) target_semaphore(%run_scoped3A : memref<!tpu.dma_semaphore, #tpu.memory_space<semaphore_mem>>)
      %dma_wait3A_187 = tpu.memref_slice %arg4[%mul3A_2] : memref<4096xi32, #tpu.memory_space<hbm>> -> memref<128xi32, #tpu.memory_space<hbm>>
      %dma_wait3A_188 = tpu.memref_slice %arg4[%mul3A_2] : memref<4096xi32, #tpu.memory_space<hbm>> -> memref<128xi32, #tpu.memory_space<hbm>>
      tpu.wait_dma2 semaphore(%run_scoped3A : memref<!tpu.dma_semaphore, #tpu.memory_space<semaphore_mem>>) src(%dma_wait3A_188 : memref<128xi32, #tpu.memory_space<hbm>>) dst(%arg8 : memref<128xi32, #tpu.memory_space<vmem>>)
      tpu.yield
    }) : () -> ()
    "tpu.region"() ({
      %run_scoped3A = tpu.sem_alloc : memref<!tpu.dma_semaphore, #tpu.memory_space<semaphore_mem>>
      %dma_start3A_185 = tpu.memref_slice %arg5[%mul3A_2] : memref<4096xi32, #tpu.memory_space<hbm>> -> memref<128xi32, #tpu.memory_space<hbm>>
      %dma_start3A_186 = tpu.memref_slice %arg5[%mul3A_2] : memref<4096xi32, #tpu.memory_space<hbm>> -> memref<128xi32, #tpu.memory_space<hbm>>
      tpu.enqueue_dma source(%dma_start3A_186 : memref<128xi32, #tpu.memory_space<hbm>>) target(%arg9 : memref<128xi32, #tpu.memory_space<vmem>>) target_semaphore(%run_scoped3A : memref<!tpu.dma_semaphore, #tpu.memory_space<semaphore_mem>>)
      %dma_wait3A_187 = tpu.memref_slice %arg5[%mul3A_2] : memref<4096xi32, #tpu.memory_space<hbm>> -> memref<128xi32, #tpu.memory_space<hbm>>
      %dma_wait3A_188 = tpu.memref_slice %arg5[%mul3A_2] : memref<4096xi32, #tpu.memory_space<hbm>> -> memref<128xi32, #tpu.memory_space<hbm>>
      tpu.wait_dma2 semaphore(%run_scoped3A : memref<!tpu.dma_semaphore, #tpu.memory_space<semaphore_mem>>) src(%dma_wait3A_188 : memref<128xi32, #tpu.memory_space<hbm>>) dst(%arg9 : memref<128xi32, #tpu.memory_space<vmem>>)
      tpu.yield
    }) : () -> ()
    %get3A = arith.constant 0 : index
    %get3A_3 = tpu.vector_load %arg8[%get3A] {strides = array<i32>} : memref<128xi32, #tpu.memory_space<vmem>>, vector<16xi32>,
    %get3A_4 = vector.shape_cast %get3A_3 : vector<16xi32> to vector<16xi32>
    %and3A = arith.constant 4095 : i32
    %and3A_5 = vector.broadcast %and3A : i32 to vector<16xi32>
    %and3A_6 = arith.andi %get3A_4, %and3A_5 : vector<16xi32>
    %swap3A = arith.constant 0 : index
    %swap3A_7 = tpu.vector_load %arg8[%swap3A] {strides = array<i32>} : memref<128xi32, #tpu.memory_space<vmem>>, vector<16xi32>,
    %swap3A_8 = vector.shape_cast %swap3A_7 : vector<16xi32> to vector<16xi32>
    %swap3A_9 = vector.shape_cast %and3A_6 : vector<16xi32> to vector<16xi32>
    tpu.vector_store %arg8[%swap3A], %swap3A_9 {strides = array<i32>} : memref<128xi32, #tpu.memory_space<vmem>>, vector<16xi32>,
    %get3A_10 = arith.constant 0 : index
    %get3A_11 = tpu.vector_load %arg9[%get3A_10] {strides = array<i32>} : memref<128xi32, #tpu.memory_space<vmem>>, vector<16xi32>,
    %get3A_12 = vector.shape_cast %get3A_11 : vector<16xi32> to vector<16xi32>
    %and3A_13 = arith.constant 4095 : i32
    %and3A_14 = vector.broadcast %and3A_13 : i32 to vector<16xi32>
    %and3A_15 = arith.andi %get3A_12, %and3A_14 : vector<16xi32>
    %swap3A_16 = arith.constant 0 : index
    %swap3A_17 = tpu.vector_load %arg9[%swap3A_16] {strides = array<i32>} : memref<128xi32, #tpu.memory_space<vmem>>, vector<16xi32>,
    %swap3A_18 = vector.shape_cast %swap3A_17 : vector<16xi32> to vector<16xi32>
    %swap3A_19 = vector.shape_cast %and3A_15 : vector<16xi32> to vector<16xi32>
    tpu.vector_store %arg9[%swap3A_16], %swap3A_19 {strides = array<i32>} : memref<128xi32, #tpu.memory_space<vmem>>, vector<16xi32>,
    %get3A_20 = arith.constant 16 : index
    %get3A_21 = tpu.vector_load %arg8[%get3A_20] {strides = array<i32>} : memref<128xi32, #tpu.memory_space<vmem>>, vector<16xi32>,
    %get3A_22 = vector.shape_cast %get3A_21 : vector<16xi32> to vector<16xi32>
    %and3A_23 = arith.constant 4095 : i32
    %and3A_24 = vector.broadcast %and3A_23 : i32 to vector<16xi32>
    %and3A_25 = arith.andi %get3A_22, %and3A_24 : vector<16xi32>
    %swap3A_26 = arith.constant 16 : index
    %swap3A_27 = tpu.vector_load %arg8[%swap3A_26] {strides = array<i32>} : memref<128xi32, #tpu.memory_space<vmem>>, vector<16xi32>,
    %swap3A_28 = vector.shape_cast %swap3A_27 : vector<16xi32> to vector<16xi32>
    %swap3A_29 = vector.shape_cast %and3A_25 : vector<16xi32> to vector<16xi32>
    tpu.vector_store %arg8[%swap3A_26], %swap3A_29 {strides = array<i32>} : memref<128xi32, #tpu.memory_space<vmem>>, vector<16xi32>,
    %get3A_30 = arith.constant 16 : index
    %get3A_31 = tpu.vector_load %arg9[%get3A_30] {strides = array<i32>} : memref<128xi32, #tpu.memory_space<vmem>>, vector<16xi32>,
    %get3A_32 = vector.shape_cast %get3A_31 : vector<16xi32> to vector<16xi32>
    %and3A_33 = arith.constant 4095 : i32
    %and3A_34 = vector.broadcast %and3A_33 : i32 to vector<16xi32>
    %and3A_35 = arith.andi %get3A_32, %and3A_34 : vector<16xi32>
    %swap3A_36 = arith.constant 16 : index
    %swap3A_37 = tpu.vector_load %arg9[%swap3A_36] {strides = array<i32>} : memref<128xi32, #tpu.memory_space<vmem>>, vector<16xi32>,
    %swap3A_38 = vector.shape_cast %swap3A_37 : vector<16xi32> to vector<16xi32>
    %swap3A_39 = vector.shape_cast %and3A_35 : vector<16xi32> to vector<16xi32>
    tpu.vector_store %arg9[%swap3A_36], %swap3A_39 {strides = array<i32>} : memref<128xi32, #tpu.memory_space<vmem>>, vector<16xi32>,
    %get3A_40 = arith.constant 32 : index
    %get3A_41 = tpu.vector_load %arg8[%get3A_40] {strides = array<i32>} : memref<128xi32, #tpu.memory_space<vmem>>, vector<16xi32>,
    %get3A_42 = vector.shape_cast %get3A_41 : vector<16xi32> to vector<16xi32>
    %and3A_43 = arith.constant 4095 : i32
    %and3A_44 = vector.broadcast %and3A_43 : i32 to vector<16xi32>
    %and3A_45 = arith.andi %get3A_42, %and3A_44 : vector<16xi32>
    %swap3A_46 = arith.constant 32 : index
    %swap3A_47 = tpu.vector_load %arg8[%swap3A_46] {strides = array<i32>} : memref<128xi32, #tpu.memory_space<vmem>>, vector<16xi32>,
    %swap3A_48 = vector.shape_cast %swap3A_47 : vector<16xi32> to vector<16xi32>
    %swap3A_49 = vector.shape_cast %and3A_45 : vector<16xi32> to vector<16xi32>
    tpu.vector_store %arg8[%swap3A_46], %swap3A_49 {strides = array<i32>} : memref<128xi32, #tpu.memory_space<vmem>>, vector<16xi32>,
    %get3A_50 = arith.constant 32 : index
    %get3A_51 = tpu.vector_load %arg9[%get3A_50] {strides = array<i32>} : memref<128xi32, #tpu.memory_space<vmem>>, vector<16xi32>,
    %get3A_52 = vector.shape_cast %get3A_51 : vector<16xi32> to vector<16xi32>
    %and3A_53 = arith.constant 4095 : i32
    %and3A_54 = vector.broadcast %and3A_53 : i32 to vector<16xi32>
    %and3A_55 = arith.andi %get3A_52, %and3A_54 : vector<16xi32>
    %swap3A_56 = arith.constant 32 : index
    %swap3A_57 = tpu.vector_load %arg9[%swap3A_56] {strides = array<i32>} : memref<128xi32, #tpu.memory_space<vmem>>, vector<16xi32>,
    %swap3A_58 = vector.shape_cast %swap3A_57 : vector<16xi32> to vector<16xi32>
    %swap3A_59 = vector.shape_cast %and3A_55 : vector<16xi32> to vector<16xi32>
    tpu.vector_store %arg9[%swap3A_56], %swap3A_59 {strides = array<i32>} : memref<128xi32, #tpu.memory_space<vmem>>, vector<16xi32>,
    %get3A_60 = arith.constant 48 : index
    %get3A_61 = tpu.vector_load %arg8[%get3A_60] {strides = array<i32>} : memref<128xi32, #tpu.memory_space<vmem>>, vector<16xi32>,
    %get3A_62 = vector.shape_cast %get3A_61 : vector<16xi32> to vector<16xi32>
    %and3A_63 = arith.constant 4095 : i32
    %and3A_64 = vector.broadcast %and3A_63 : i32 to vector<16xi32>
    %and3A_65 = arith.andi %get3A_62, %and3A_64 : vector<16xi32>
    %swap3A_66 = arith.constant 48 : index
    %swap3A_67 = tpu.vector_load %arg8[%swap3A_66] {strides = array<i32>} : memref<128xi32, #tpu.memory_space<vmem>>, vector<16xi32>,
    %swap3A_68 = vector.shape_cast %swap3A_67 : vector<16xi32> to vector<16xi32>
    %swap3A_69 = vector.shape_cast %and3A_65 : vector<16xi32> to vector<16xi32>
    tpu.vector_store %arg8[%swap3A_66], %swap3A_69 {strides = array<i32>} : memref<128xi32, #tpu.memory_space<vmem>>, vector<16xi32>,
    %get3A_70 = arith.constant 48 : index
    %get3A_71 = tpu.vector_load %arg9[%get3A_70] {strides = array<i32>} : memref<128xi32, #tpu.memory_space<vmem>>, vector<16xi32>,
    %get3A_72 = vector.shape_cast %get3A_71 : vector<16xi32> to vector<16xi32>
    %and3A_73 = arith.constant 4095 : i32
    %and3A_74 = vector.broadcast %and3A_73 : i32 to vector<16xi32>
    %and3A_75 = arith.andi %get3A_72, %and3A_74 : vector<16xi32>
    %swap3A_76 = arith.constant 48 : index
    %swap3A_77 = tpu.vector_load %arg9[%swap3A_76] {strides = array<i32>} : memref<128xi32, #tpu.memory_space<vmem>>, vector<16xi32>,
    %swap3A_78 = vector.shape_cast %swap3A_77 : vector<16xi32> to vector<16xi32>
    %swap3A_79 = vector.shape_cast %and3A_75 : vector<16xi32> to vector<16xi32>
    tpu.vector_store %arg9[%swap3A_76], %swap3A_79 {strides = array<i32>} : memref<128xi32, #tpu.memory_space<vmem>>, vector<16xi32>,
    %get3A_80 = arith.constant 64 : index
    %get3A_81 = tpu.vector_load %arg8[%get3A_80] {strides = array<i32>} : memref<128xi32, #tpu.memory_space<vmem>>, vector<16xi32>,
    %get3A_82 = vector.shape_cast %get3A_81 : vector<16xi32> to vector<16xi32>
    %and3A_83 = arith.constant 4095 : i32
    %and3A_84 = vector.broadcast %and3A_83 : i32 to vector<16xi32>
    %and3A_85 = arith.andi %get3A_82, %and3A_84 : vector<16xi32>
    %swap3A_86 = arith.constant 64 : index
    %swap3A_87 = tpu.vector_load %arg8[%swap3A_86] {strides = array<i32>} : memref<128xi32, #tpu.memory_space<vmem>>, vector<16xi32>,
    %swap3A_88 = vector.shape_cast %swap3A_87 : vector<16xi32> to vector<16xi32>
    %swap3A_89 = vector.shape_cast %and3A_85 : vector<16xi32> to vector<16xi32>
    tpu.vector_store %arg8[%swap3A_86], %swap3A_89 {strides = array<i32>} : memref<128xi32, #tpu.memory_space<vmem>>, vector<16xi32>,
    %get3A_90 = arith.constant 64 : index
    %get3A_91 = tpu.vector_load %arg9[%get3A_90] {strides = array<i32>} : memref<128xi32, #tpu.memory_space<vmem>>, vector<16xi32>,
    %get3A_92 = vector.shape_cast %get3A_91 : vector<16xi32> to vector<16xi32>
    %and3A_93 = arith.constant 4095 : i32
    %and3A_94 = vector.broadcast %and3A_93 : i32 to vector<16xi32>
    %and3A_95 = arith.andi %get3A_92, %and3A_94 : vector<16xi32>
    %swap3A_96 = arith.constant 64 : index
    %swap3A_97 = tpu.vector_load %arg9[%swap3A_96] {strides = array<i32>} : memref<128xi32, #tpu.memory_space<vmem>>, vector<16xi32>,
    %swap3A_98 = vector.shape_cast %swap3A_97 : vector<16xi32> to vector<16xi32>
    %swap3A_99 = vector.shape_cast %and3A_95 : vector<16xi32> to vector<16xi32>
    tpu.vector_store %arg9[%swap3A_96], %swap3A_99 {strides = array<i32>} : memref<128xi32, #tpu.memory_space<vmem>>, vector<16xi32>,
    %get3A_100 = arith.constant 80 : index
    %get3A_101 = tpu.vector_load %arg8[%get3A_100] {strides = array<i32>} : memref<128xi32, #tpu.memory_space<vmem>>, vector<16xi32>,
    %get3A_102 = vector.shape_cast %get3A_101 : vector<16xi32> to vector<16xi32>
    %and3A_103 = arith.constant 4095 : i32
    %and3A_104 = vector.broadcast %and3A_103 : i32 to vector<16xi32>
    %and3A_105 = arith.andi %get3A_102, %and3A_104 : vector<16xi32>
    %swap3A_106 = arith.constant 80 : index
    %swap3A_107 = tpu.vector_load %arg8[%swap3A_106] {strides = array<i32>} : memref<128xi32, #tpu.memory_space<vmem>>, vector<16xi32>,
    %swap3A_108 = vector.shape_cast %swap3A_107 : vector<16xi32> to vector<16xi32>
    %swap3A_109 = vector.shape_cast %and3A_105 : vector<16xi32> to vector<16xi32>
    tpu.vector_store %arg8[%swap3A_106], %swap3A_109 {strides = array<i32>} : memref<128xi32, #tpu.memory_space<vmem>>, vector<16xi32>,
    %get3A_110 = arith.constant 80 : index
    %get3A_111 = tpu.vector_load %arg9[%get3A_110] {strides = array<i32>} : memref<128xi32, #tpu.memory_space<vmem>>, vector<16xi32>,
    %get3A_112 = vector.shape_cast %get3A_111 : vector<16xi32> to vector<16xi32>
    %and3A_113 = arith.constant 4095 : i32
    %and3A_114 = vector.broadcast %and3A_113 : i32 to vector<16xi32>
    %and3A_115 = arith.andi %get3A_112, %and3A_114 : vector<16xi32>
    %swap3A_116 = arith.constant 80 : index
    %swap3A_117 = tpu.vector_load %arg9[%swap3A_116] {strides = array<i32>} : memref<128xi32, #tpu.memory_space<vmem>>, vector<16xi32>,
    %swap3A_118 = vector.shape_cast %swap3A_117 : vector<16xi32> to vector<16xi32>
    %swap3A_119 = vector.shape_cast %and3A_115 : vector<16xi32> to vector<16xi32>
    tpu.vector_store %arg9[%swap3A_116], %swap3A_119 {strides = array<i32>} : memref<128xi32, #tpu.memory_space<vmem>>, vector<16xi32>,
    %get3A_120 = arith.constant 96 : index
    %get3A_121 = tpu.vector_load %arg8[%get3A_120] {strides = array<i32>} : memref<128xi32, #tpu.memory_space<vmem>>, vector<16xi32>,
    %get3A_122 = vector.shape_cast %get3A_121 : vector<16xi32> to vector<16xi32>
    %and3A_123 = arith.constant 4095 : i32
    %and3A_124 = vector.broadcast %and3A_123 : i32 to vector<16xi32>
    %and3A_125 = arith.andi %get3A_122, %and3A_124 : vector<16xi32>
    %swap3A_126 = arith.constant 96 : index
    %swap3A_127 = tpu.vector_load %arg8[%swap3A_126] {strides = array<i32>} : memref<128xi32, #tpu.memory_space<vmem>>, vector<16xi32>,
    %swap3A_128 = vector.shape_cast %swap3A_127 : vector<16xi32> to vector<16xi32>
    %swap3A_129 = vector.shape_cast %and3A_125 : vector<16xi32> to vector<16xi32>
    tpu.vector_store %arg8[%swap3A_126], %swap3A_129 {strides = array<i32>} : memref<128xi32, #tpu.memory_space<vmem>>, vector<16xi32>,
    %get3A_130 = arith.constant 96 : index
    %get3A_131 = tpu.vector_load %arg9[%get3A_130] {strides = array<i32>} : memref<128xi32, #tpu.memory_space<vmem>>, vector<16xi32>,
    %get3A_132 = vector.shape_cast %get3A_131 : vector<16xi32> to vector<16xi32>
    %and3A_133 = arith.constant 4095 : i32
    %and3A_134 = vector.broadcast %and3A_133 : i32 to vector<16xi32>
    %and3A_135 = arith.andi %get3A_132, %and3A_134 : vector<16xi32>
    %swap3A_136 = arith.constant 96 : index
    %swap3A_137 = tpu.vector_load %arg9[%swap3A_136] {strides = array<i32>} : memref<128xi32, #tpu.memory_space<vmem>>, vector<16xi32>,
    %swap3A_138 = vector.shape_cast %swap3A_137 : vector<16xi32> to vector<16xi32>
    %swap3A_139 = vector.shape_cast %and3A_135 : vector<16xi32> to vector<16xi32>
    tpu.vector_store %arg9[%swap3A_136], %swap3A_139 {strides = array<i32>} : memref<128xi32, #tpu.memory_space<vmem>>, vector<16xi32>,
    %get3A_140 = arith.constant 112 : index
    %get3A_141 = tpu.vector_load %arg8[%get3A_140] {strides = array<i32>} : memref<128xi32, #tpu.memory_space<vmem>>, vector<16xi32>,
    %get3A_142 = vector.shape_cast %get3A_141 : vector<16xi32> to vector<16xi32>
    %and3A_143 = arith.constant 4095 : i32
    %and3A_144 = vector.broadcast %and3A_143 : i32 to vector<16xi32>
    %and3A_145 = arith.andi %get3A_142, %and3A_144 : vector<16xi32>
    %swap3A_146 = arith.constant 112 : index
    %swap3A_147 = tpu.vector_load %arg8[%swap3A_146] {strides = array<i32>} : memref<128xi32, #tpu.memory_space<vmem>>, vector<16xi32>,
    %swap3A_148 = vector.shape_cast %swap3A_147 : vector<16xi32> to vector<16xi32>
    %swap3A_149 = vector.shape_cast %and3A_145 : vector<16xi32> to vector<16xi32>
    tpu.vector_store %arg8[%swap3A_146], %swap3A_149 {strides = array<i32>} : memref<128xi32, #tpu.memory_space<vmem>>, vector<16xi32>,
    %get3A_150 = arith.constant 112 : index
    %get3A_151 = tpu.vector_load %arg9[%get3A_150] {strides = array<i32>} : memref<128xi32, #tpu.memory_space<vmem>>, vector<16xi32>,
    %get3A_152 = vector.shape_cast %get3A_151 : vector<16xi32> to vector<16xi32>
    %and3A_153 = arith.constant 4095 : i32
    %and3A_154 = vector.broadcast %and3A_153 : i32 to vector<16xi32>
    %and3A_155 = arith.andi %get3A_152, %and3A_154 : vector<16xi32>
    %swap3A_156 = arith.constant 112 : index
    %swap3A_157 = tpu.vector_load %arg9[%swap3A_156] {strides = array<i32>} : memref<128xi32, #tpu.memory_space<vmem>>, vector<16xi32>,
    %swap3A_158 = vector.shape_cast %swap3A_157 : vector<16xi32> to vector<16xi32>
    %swap3A_159 = vector.shape_cast %and3A_155 : vector<16xi32> to vector<16xi32>
    tpu.vector_store %arg9[%swap3A_156], %swap3A_159 {strides = array<i32>} : memref<128xi32, #tpu.memory_space<vmem>>, vector<16xi32>,
    %dma_start3A = arith.constant 0 : i32
    %dma_start3A_160 = arith.constant 0 : i32
    %dma_start3A_161 = tpu.memref_slice %arg3[%dma_start3A, %dma_start3A_160] : memref<4096x128xf32, #tpu.memory_space<hbm>> -> memref<4096x128xf32, #tpu.memory_space<hbm>>
    tpu.enqueue_indirect_dma source(%dma_start3A_161 : memref<4096x128xf32, #tpu.memory_space<hbm>>) target(%arg10 : memref<128x128xf32, #tpu.memory_space<vmem>>) offsets(%arg8 : memref<128xi32, #tpu.memory_space<vmem>>) semaphore(%arg16 : memref<!tpu.dma_semaphore, #tpu.memory_space<semaphore_mem>>)
    %dma_start3A_162 = arith.constant 0 : i32
    %dma_start3A_163 = arith.constant 0 : i32
    %dma_start3A_164 = tpu.memref_slice %arg2[%dma_start3A_162, %dma_start3A_163] : memref<4096x128xf32, #tpu.memory_space<hbm>> -> memref<4096x128xf32, #tpu.memory_space<hbm>>
    tpu.enqueue_indirect_dma source(%dma_start3A_164 : memref<4096x128xf32, #tpu.memory_space<hbm>>) target(%arg11 : memref<128x128xf32, #tpu.memory_space<vmem>>) offsets(%arg9 : memref<128xi32, #tpu.memory_space<vmem>>) semaphore(%arg17 : memref<!tpu.dma_semaphore, #tpu.memory_space<semaphore_mem>>)
    "tpu.region"() ({
      %run_scoped3A = tpu.sem_alloc : memref<!tpu.dma_semaphore, #tpu.memory_space<semaphore_mem>>
      %dma_start3A_185 = arith.constant 0 : i32
      %dma_start3A_186 = tpu.memref_slice %arg2[%mul3A_2, %dma_start3A_185] : memref<4096x128xf32, #tpu.memory_space<hbm>> -> memref<128x128xf32, #tpu.memory_space<hbm>>
      %dma_start3A_187 = arith.constant 0 : i32
      %dma_start3A_188 = tpu.memref_slice %arg2[%mul3A_2, %dma_start3A_187] : memref<4096x128xf32, #tpu.memory_space<hbm>> -> memref<128x128xf32, #tpu.memory_space<hbm>>
      tpu.enqueue_dma source(%dma_start3A_188 : memref<128x128xf32, #tpu.memory_space<hbm>>) target(%arg12 : memref<128x128xf32, #tpu.memory_space<vmem>>) target_semaphore(%run_scoped3A : memref<!tpu.dma_semaphore, #tpu.memory_space<semaphore_mem>>)
      %dma_wait3A_189 = arith.constant 0 : i32
      %dma_wait3A_190 = tpu.memref_slice %arg2[%mul3A_2, %dma_wait3A_189] : memref<4096x128xf32, #tpu.memory_space<hbm>> -> memref<128x128xf32, #tpu.memory_space<hbm>>
      %dma_wait3A_191 = arith.constant 0 : i32
      %dma_wait3A_192 = tpu.memref_slice %arg2[%mul3A_2, %dma_wait3A_191] : memref<4096x128xf32, #tpu.memory_space<hbm>> -> memref<128x128xf32, #tpu.memory_space<hbm>>
      tpu.wait_dma2 semaphore(%run_scoped3A : memref<!tpu.dma_semaphore, #tpu.memory_space<semaphore_mem>>) src(%dma_wait3A_192 : memref<128x128xf32, #tpu.memory_space<hbm>>) dst(%arg12 : memref<128x128xf32, #tpu.memory_space<vmem>>)
      tpu.yield
    }) : () -> ()
    "tpu.region"() ({
      %run_scoped3A = tpu.sem_alloc : memref<!tpu.dma_semaphore, #tpu.memory_space<semaphore_mem>>
      %dma_start3A_185 = arith.constant 0 : i32
      %dma_start3A_186 = tpu.memref_slice %arg3[%mul3A_2, %dma_start3A_185] : memref<4096x128xf32, #tpu.memory_space<hbm>> -> memref<128x128xf32, #tpu.memory_space<hbm>>
      %dma_start3A_187 = arith.constant 0 : i32
      %dma_start3A_188 = tpu.memref_slice %arg3[%mul3A_2, %dma_start3A_187] : memref<4096x128xf32, #tpu.memory_space<hbm>> -> memref<128x128xf32, #tpu.memory_space<hbm>>
      tpu.enqueue_dma source(%dma_start3A_188 : memref<128x128xf32, #tpu.memory_space<hbm>>) target(%arg13 : memref<128x128xf32, #tpu.memory_space<vmem>>) target_semaphore(%run_scoped3A : memref<!tpu.dma_semaphore, #tpu.memory_space<semaphore_mem>>)
      %dma_wait3A_189 = arith.constant 0 : i32
      %dma_wait3A_190 = tpu.memref_slice %arg3[%mul3A_2, %dma_wait3A_189] : memref<4096x128xf32, #tpu.memory_space<hbm>> -> memref<128x128xf32, #tpu.memory_space<hbm>>
      %dma_wait3A_191 = arith.constant 0 : i32
      %dma_wait3A_192 = tpu.memref_slice %arg3[%mul3A_2, %dma_wait3A_191] : memref<4096x128xf32, #tpu.memory_space<hbm>> -> memref<128x128xf32, #tpu.memory_space<hbm>>
      tpu.wait_dma2 semaphore(%run_scoped3A : memref<!tpu.dma_semaphore, #tpu.memory_space<semaphore_mem>>) src(%dma_wait3A_192 : memref<128x128xf32, #tpu.memory_space<hbm>>) dst(%arg13 : memref<128x128xf32, #tpu.memory_space<vmem>>)
      tpu.yield
    }) : () -> ()
    %dma_wait3A = arith.constant 0 : i32
    %dma_wait3A_165 = arith.constant 0 : i32
    %dma_wait3A_166 = tpu.memref_slice %arg3[%dma_wait3A, %dma_wait3A_165] : memref<4096x128xf32, #tpu.memory_space<hbm>> -> memref<4096x128xf32, #tpu.memory_space<hbm>>
    tpu.wait_indirect_dma semaphore(%arg16 : memref<!tpu.dma_semaphore, #tpu.memory_space<semaphore_mem>>) src(%dma_wait3A_166 : memref<4096x128xf32, #tpu.memory_space<hbm>>) dst(%arg10 : memref<128x128xf32, #tpu.memory_space<vmem>>)
    %scan3A = arith.constant 0 : i32
    %scan3A_167 = arith.constant 0 : i32
    %scan3A_168 = arith.constant 32 : i32
    %scan3A_169 = arith.addi %scan3A_167, %scan3A_168 : i32
    %scan3A_170 = arith.constant 1 : i32
    scf.for %scan3A_185 = %scan3A_167 to %scan3A_169 step %scan3A_170  : i32 {
      %mul3A_186 = arith.constant 4 : i32
      %mul3A_187 = arith.muli %scan3A_185, %mul3A_186 : i32
      %add3A_188 = arith.constant 0 : i32
      %add3A_189 = arith.addi %mul3A_187, %add3A_188 : i32
      %broadcast_in_dim3A = arith.constant 0.000000e+00 : f32
      %broadcast_in_dim3A_190 = vector.broadcast %broadcast_in_dim3A : f32 to vector<16xf32>
      %get3A_191 = arith.index_cast %add3A_189 : i32 to index
      %get3A_192 = arith.constant 0 : index
      %get3A_193 = tpu.vector_load %arg10[%get3A_191, %get3A_192] {strides = array<i32>} : memref<128x128xf32, #tpu.memory_space<vmem>>, vector<1x16xf32>,
      %get3A_194 = vector.shape_cast %get3A_193 : vector<1x16xf32> to vector<16xf32>
      %get3A_195 = arith.index_cast %add3A_189 : i32 to index
      %get3A_196 = arith.constant 0 : index
      %get3A_197 = tpu.vector_load %arg12[%get3A_195, %get3A_196] {strides = array<i32>} : memref<128x128xf32, #tpu.memory_space<vmem>>, vector<1x16xf32>,
      %get3A_198 = vector.shape_cast %get3A_197 : vector<1x16xf32> to vector<16xf32>
      %sub3A = arith.subf %get3A_194, %get3A_198 : vector<16xf32>
      %mul3A_199 = arith.mulf %sub3A, %sub3A : vector<16xf32>
      %add3A_200 = arith.addf %broadcast_in_dim3A_190, %mul3A_199 : vector<16xf32>
      %get3A_201 = arith.index_cast %add3A_189 : i32 to index
      %get3A_202 = arith.constant 16 : index
      %get3A_203 = tpu.vector_load %arg10[%get3A_201, %get3A_202] {strides = array<i32>} : memref<128x128xf32, #tpu.memory_space<vmem>>, vector<1x16xf32>,
      %get3A_204 = vector.shape_cast %get3A_203 : vector<1x16xf32> to vector<16xf32>
      %get3A_205 = arith.index_cast %add3A_189 : i32 to index
      %get3A_206 = arith.constant 16 : index
      %get3A_207 = tpu.vector_load %arg12[%get3A_205, %get3A_206] {strides = array<i32>} : memref<128x128xf32, #tpu.memory_space<vmem>>, vector<1x16xf32>,
      %get3A_208 = vector.shape_cast %get3A_207 : vector<1x16xf32> to vector<16xf32>
      %sub3A_209 = arith.subf %get3A_204, %get3A_208 : vector<16xf32>
      %mul3A_210 = arith.mulf %sub3A_209, %sub3A_209 : vector<16xf32>
      %add3A_211 = arith.addf %add3A_200, %mul3A_210 : vector<16xf32>
      %get3A_212 = arith.index_cast %add3A_189 : i32 to index
      %get3A_213 = arith.constant 32 : index
      %get3A_214 = tpu.vector_load %arg10[%get3A_212, %get3A_213] {strides = array<i32>} : memref<128x128xf32, #tpu.memory_space<vmem>>, vector<1x16xf32>,
      %get3A_215 = vector.shape_cast %get3A_214 : vector<1x16xf32> to vector<16xf32>
      %get3A_216 = arith.index_cast %add3A_189 : i32 to index
      %get3A_217 = arith.constant 32 : index
      %get3A_218 = tpu.vector_load %arg12[%get3A_216, %get3A_217] {strides = array<i32>} : memref<128x128xf32, #tpu.memory_space<vmem>>, vector<1x16xf32>,
      %get3A_219 = vector.shape_cast %get3A_218 : vector<1x16xf32> to vector<16xf32>
      %sub3A_220 = arith.subf %get3A_215, %get3A_219 : vector<16xf32>
      %mul3A_221 = arith.mulf %sub3A_220, %sub3A_220 : vector<16xf32>
      %add3A_222 = arith.addf %add3A_211, %mul3A_221 : vector<16xf32>
      %get3A_223 = arith.index_cast %add3A_189 : i32 to index
      %get3A_224 = arith.constant 48 : index
      %get3A_225 = tpu.vector_load %arg10[%get3A_223, %get3A_224] {strides = array<i32>} : memref<128x128xf32, #tpu.memory_space<vmem>>, vector<1x16xf32>,
      %get3A_226 = vector.shape_cast %get3A_225 : vector<1x16xf32> to vector<16xf32>
      %get3A_227 = arith.index_cast %add3A_189 : i32 to index
      %get3A_228 = arith.constant 48 : index
      %get3A_229 = tpu.vector_load %arg12[%get3A_227, %get3A_228] {strides = array<i32>} : memref<128x128xf32, #tpu.memory_space<vmem>>, vector<1x16xf32>,
      %get3A_230 = vector.shape_cast %get3A_229 : vector<1x16xf32> to vector<16xf32>
      %sub3A_231 = arith.subf %get3A_226, %get3A_230 : vector<16xf32>
      %mul3A_232 = arith.mulf %sub3A_231, %sub3A_231 : vector<16xf32>
      %add3A_233 = arith.addf %add3A_222, %mul3A_232 : vector<16xf32>
      %get3A_234 = arith.index_cast %add3A_189 : i32 to index
      %get3A_235 = arith.constant 64 : index
      %get3A_236 = tpu.vector_load %arg10[%get3A_234, %get3A_235] {strides = array<i32>} : memref<128x128xf32, #tpu.memory_space<vmem>>, vector<1x16xf32>,
      %get3A_237 = vector.shape_cast %get3A_236 : vector<1x16xf32> to vector<16xf32>
      %get3A_238 = arith.index_cast %add3A_189 : i32 to index
      %get3A_239 = arith.constant 64 : index
      %get3A_240 = tpu.vector_load %arg12[%get3A_238, %get3A_239] {strides = array<i32>} : memref<128x128xf32, #tpu.memory_space<vmem>>, vector<1x16xf32>,
      %get3A_241 = vector.shape_cast %get3A_240 : vector<1x16xf32> to vector<16xf32>
      %sub3A_242 = arith.subf %get3A_237, %get3A_241 : vector<16xf32>
      %mul3A_243 = arith.mulf %sub3A_242, %sub3A_242 : vector<16xf32>
      %add3A_244 = arith.addf %add3A_233, %mul3A_243 : vector<16xf32>
      %get3A_245 = arith.index_cast %add3A_189 : i32 to index
      %get3A_246 = arith.constant 80 : index
      %get3A_247 = tpu.vector_load %arg10[%get3A_245, %get3A_246] {strides = array<i32>} : memref<128x128xf32, #tpu.memory_space<vmem>>, vector<1x16xf32>,
      %get3A_248 = vector.shape_cast %get3A_247 : vector<1x16xf32> to vector<16xf32>
      %get3A_249 = arith.index_cast %add3A_189 : i32 to index
      %get3A_250 = arith.constant 80 : index
      %get3A_251 = tpu.vector_load %arg12[%get3A_249, %get3A_250] {strides = array<i32>} : memref<128x128xf32, #tpu.memory_space<vmem>>, vector<1x16xf32>,
      %get3A_252 = vector.shape_cast %get3A_251 : vector<1x16xf32> to vector<16xf32>
      %sub3A_253 = arith.subf %get3A_248, %get3A_252 : vector<16xf32>
      %mul3A_254 = arith.mulf %sub3A_253, %sub3A_253 : vector<16xf32>
      %add3A_255 = arith.addf %add3A_244, %mul3A_254 : vector<16xf32>
      %get3A_256 = arith.index_cast %add3A_189 : i32 to index
      %get3A_257 = arith.constant 96 : index
      %get3A_258 = tpu.vector_load %arg10[%get3A_256, %get3A_257] {strides = array<i32>} : memref<128x128xf32, #tpu.memory_space<vmem>>, vector<1x16xf32>,
      %get3A_259 = vector.shape_cast %get3A_258 : vector<1x16xf32> to vector<16xf32>
      %get3A_260 = arith.index_cast %add3A_189 : i32 to index
      %get3A_261 = arith.constant 96 : index
      %get3A_262 = tpu.vector_load %arg12[%get3A_260, %get3A_261] {strides = array<i32>} : memref<128x128xf32, #tpu.memory_space<vmem>>, vector<1x16xf32>,
      %get3A_263 = vector.shape_cast %get3A_262 : vector<1x16xf32> to vector<16xf32>
      %sub3A_264 = arith.subf %get3A_259, %get3A_263 : vector<16xf32>
      %mul3A_265 = arith.mulf %sub3A_264, %sub3A_264 : vector<16xf32>
      %add3A_266 = arith.addf %add3A_255, %mul3A_265 : vector<16xf32>
      %get3A_267 = arith.index_cast %add3A_189 : i32 to index
      %get3A_268 = arith.constant 112 : index
      %get3A_269 = tpu.vector_load %arg10[%get3A_267, %get3A_268] {strides = array<i32>} : memref<128x128xf32, #tpu.memory_space<vmem>>, vector<1x16xf32>,
      %get3A_270 = vector.shape_cast %get3A_269 : vector<1x16xf32> to vector<16xf32>
      %get3A_271 = arith.index_cast %add3A_189 : i32 to index
      %get3A_272 = arith.constant 112 : index
      %get3A_273 = tpu.vector_load %arg12[%get3A_271, %get3A_272] {strides = array<i32>} : memref<128x128xf32, #tpu.memory_space<vmem>>, vector<1x16xf32>,
      %get3A_274 = vector.shape_cast %get3A_273 : vector<1x16xf32> to vector<16xf32>
      %sub3A_275 = arith.subf %get3A_270, %get3A_274 : vector<16xf32>
      %mul3A_276 = arith.mulf %sub3A_275, %sub3A_275 : vector<16xf32>
      %add3A_277 = arith.addf %add3A_266, %mul3A_276 : vector<16xf32>
      %mul3A_278 = arith.constant 16 : i32
      %mul3A_279 = arith.muli %add3A_189, %mul3A_278 : i32
      %swap3A_280 = arith.index_cast %mul3A_279 : i32 to index
      %swap3A_281 = tpu.vector_load %arg14[%swap3A_280] {strides = array<i32>} : memref<2048xf32, #tpu.memory_space<vmem>>, vector<16xf32>,
      %swap3A_282 = vector.shape_cast %swap3A_281 : vector<16xf32> to vector<16xf32>
      %swap3A_283 = vector.shape_cast %add3A_277 : vector<16xf32> to vector<16xf32>
      tpu.vector_store %arg14[%swap3A_280], %swap3A_283 {strides = array<i32>} : memref<2048xf32, #tpu.memory_space<vmem>>, vector<16xf32>,
      %mul3A_284 = arith.constant 4 : i32
      %mul3A_285 = arith.muli %scan3A_185, %mul3A_284 : i32
      %add3A_286 = arith.constant 1 : i32
      %add3A_287 = arith.addi %mul3A_285, %add3A_286 : i32
      %broadcast_in_dim3A_288 = arith.constant 0.000000e+00 : f32
      %broadcast_in_dim3A_289 = vector.broadcast %broadcast_in_dim3A_288 : f32 to vector<16xf32>
      %get3A_290 = arith.index_cast %add3A_287 : i32 to index
      %get3A_291 = arith.constant 0 : index
      %get3A_292 = tpu.vector_load %arg10[%get3A_290, %get3A_291] {strides = array<i32>} : memref<128x128xf32, #tpu.memory_space<vmem>>, vector<1x16xf32>,
      %get3A_293 = vector.shape_cast %get3A_292 : vector<1x16xf32> to vector<16xf32>
      %get3A_294 = arith.index_cast %add3A_287 : i32 to index
      %get3A_295 = arith.constant 0 : index
      %get3A_296 = tpu.vector_load %arg12[%get3A_294, %get3A_295] {strides = array<i32>} : memref<128x128xf32, #tpu.memory_space<vmem>>, vector<1x16xf32>,
      %get3A_297 = vector.shape_cast %get3A_296 : vector<1x16xf32> to vector<16xf32>
      %sub3A_298 = arith.subf %get3A_293, %get3A_297 : vector<16xf32>
      %mul3A_299 = arith.mulf %sub3A_298, %sub3A_298 : vector<16xf32>
      %add3A_300 = arith.addf %broadcast_in_dim3A_289, %mul3A_299 : vector<16xf32>
      %get3A_301 = arith.index_cast %add3A_287 : i32 to index
      %get3A_302 = arith.constant 16 : index
      %get3A_303 = tpu.vector_load %arg10[%get3A_301, %get3A_302] {strides = array<i32>} : memref<128x128xf32, #tpu.memory_space<vmem>>, vector<1x16xf32>,
      %get3A_304 = vector.shape_cast %get3A_303 : vector<1x16xf32> to vector<16xf32>
      %get3A_305 = arith.index_cast %add3A_287 : i32 to index
      %get3A_306 = arith.constant 16 : index
      %get3A_307 = tpu.vector_load %arg12[%get3A_305, %get3A_306] {strides = array<i32>} : memref<128x128xf32, #tpu.memory_space<vmem>>, vector<1x16xf32>,
      %get3A_308 = vector.shape_cast %get3A_307 : vector<1x16xf32> to vector<16xf32>
      %sub3A_309 = arith.subf %get3A_304, %get3A_308 : vector<16xf32>
      %mul3A_310 = arith.mulf %sub3A_309, %sub3A_309 : vector<16xf32>
      %add3A_311 = arith.addf %add3A_300, %mul3A_310 : vector<16xf32>
      %get3A_312 = arith.index_cast %add3A_287 : i32 to index
      %get3A_313 = arith.constant 32 : index
      %get3A_314 = tpu.vector_load %arg10[%get3A_312, %get3A_313] {strides = array<i32>} : memref<128x128xf32, #tpu.memory_space<vmem>>, vector<1x16xf32>,
      %get3A_315 = vector.shape_cast %get3A_314 : vector<1x16xf32> to vector<16xf32>
      %get3A_316 = arith.index_cast %add3A_287 : i32 to index
      %get3A_317 = arith.constant 32 : index
      %get3A_318 = tpu.vector_load %arg12[%get3A_316, %get3A_317] {strides = array<i32>} : memref<128x128xf32, #tpu.memory_space<vmem>>, vector<1x16xf32>,
      %get3A_319 = vector.shape_cast %get3A_318 : vector<1x16xf32> to vector<16xf32>
      %sub3A_320 = arith.subf %get3A_315, %get3A_319 : vector<16xf32>
      %mul3A_321 = arith.mulf %sub3A_320, %sub3A_320 : vector<16xf32>
      %add3A_322 = arith.addf %add3A_311, %mul3A_321 : vector<16xf32>
      %get3A_323 = arith.index_cast %add3A_287 : i32 to index
      %get3A_324 = arith.constant 48 : index
      %get3A_325 = tpu.vector_load %arg10[%get3A_323, %get3A_324] {strides = array<i32>} : memref<128x128xf32, #tpu.memory_space<vmem>>, vector<1x16xf32>,
      %get3A_326 = vector.shape_cast %get3A_325 : vector<1x16xf32> to vector<16xf32>
      %get3A_327 = arith.index_cast %add3A_287 : i32 to index
      %get3A_328 = arith.constant 48 : index
      %get3A_329 = tpu.vector_load %arg12[%get3A_327, %get3A_328] {strides = array<i32>} : memref<128x128xf32, #tpu.memory_space<vmem>>, vector<1x16xf32>,
      %get3A_330 = vector.shape_cast %get3A_329 : vector<1x16xf32> to vector<16xf32>
      %sub3A_331 = arith.subf %get3A_326, %get3A_330 : vector<16xf32>
      %mul3A_332 = arith.mulf %sub3A_331, %sub3A_331 : vector<16xf32>
      %add3A_333 = arith.addf %add3A_322, %mul3A_332 : vector<16xf32>
      %get3A_334 = arith.index_cast %add3A_287 : i32 to index
      %get3A_335 = arith.constant 64 : index
      %get3A_336 = tpu.vector_load %arg10[%get3A_334, %get3A_335] {strides = array<i32>} : memref<128x128xf32, #tpu.memory_space<vmem>>, vector<1x16xf32>,
      %get3A_337 = vector.shape_cast %get3A_336 : vector<1x16xf32> to vector<16xf32>
      %get3A_338 = arith.index_cast %add3A_287 : i32 to index
      %get3A_339 = arith.constant 64 : index
      %get3A_340 = tpu.vector_load %arg12[%get3A_338, %get3A_339] {strides = array<i32>} : memref<128x128xf32, #tpu.memory_space<vmem>>, vector<1x16xf32>,
      %get3A_341 = vector.shape_cast %get3A_340 : vector<1x16xf32> to vector<16xf32>
      %sub3A_342 = arith.subf %get3A_337, %get3A_341 : vector<16xf32>
      %mul3A_343 = arith.mulf %sub3A_342, %sub3A_342 : vector<16xf32>
      %add3A_344 = arith.addf %add3A_333, %mul3A_343 : vector<16xf32>
      %get3A_345 = arith.index_cast %add3A_287 : i32 to index
      %get3A_346 = arith.constant 80 : index
      %get3A_347 = tpu.vector_load %arg10[%get3A_345, %get3A_346] {strides = array<i32>} : memref<128x128xf32, #tpu.memory_space<vmem>>, vector<1x16xf32>,
      %get3A_348 = vector.shape_cast %get3A_347 : vector<1x16xf32> to vector<16xf32>
      %get3A_349 = arith.index_cast %add3A_287 : i32 to index
      %get3A_350 = arith.constant 80 : index
      %get3A_351 = tpu.vector_load %arg12[%get3A_349, %get3A_350] {strides = array<i32>} : memref<128x128xf32, #tpu.memory_space<vmem>>, vector<1x16xf32>,
      %get3A_352 = vector.shape_cast %get3A_351 : vector<1x16xf32> to vector<16xf32>
      %sub3A_353 = arith.subf %get3A_348, %get3A_352 : vector<16xf32>
      %mul3A_354 = arith.mulf %sub3A_353, %sub3A_353 : vector<16xf32>
      %add3A_355 = arith.addf %add3A_344, %mul3A_354 : vector<16xf32>
      %get3A_356 = arith.index_cast %add3A_287 : i32 to index
      %get3A_357 = arith.constant 96 : index
      %get3A_358 = tpu.vector_load %arg10[%get3A_356, %get3A_357] {strides = array<i32>} : memref<128x128xf32, #tpu.memory_space<vmem>>, vector<1x16xf32>,
      %get3A_359 = vector.shape_cast %get3A_358 : vector<1x16xf32> to vector<16xf32>
      %get3A_360 = arith.index_cast %add3A_287 : i32 to index
      %get3A_361 = arith.constant 96 : index
      %get3A_362 = tpu.vector_load %arg12[%get3A_360, %get3A_361] {strides = array<i32>} : memref<128x128xf32, #tpu.memory_space<vmem>>, vector<1x16xf32>,
      %get3A_363 = vector.shape_cast %get3A_362 : vector<1x16xf32> to vector<16xf32>
      %sub3A_364 = arith.subf %get3A_359, %get3A_363 : vector<16xf32>
      %mul3A_365 = arith.mulf %sub3A_364, %sub3A_364 : vector<16xf32>
      %add3A_366 = arith.addf %add3A_355, %mul3A_365 : vector<16xf32>
      %get3A_367 = arith.index_cast %add3A_287 : i32 to index
      %get3A_368 = arith.constant 112 : index
      %get3A_369 = tpu.vector_load %arg10[%get3A_367, %get3A_368] {strides = array<i32>} : memref<128x128xf32, #tpu.memory_space<vmem>>, vector<1x16xf32>,
      %get3A_370 = vector.shape_cast %get3A_369 : vector<1x16xf32> to vector<16xf32>
      %get3A_371 = arith.index_cast %add3A_287 : i32 to index
      %get3A_372 = arith.constant 112 : index
      %get3A_373 = tpu.vector_load %arg12[%get3A_371, %get3A_372] {strides = array<i32>} : memref<128x128xf32, #tpu.memory_space<vmem>>, vector<1x16xf32>,
      %get3A_374 = vector.shape_cast %get3A_373 : vector<1x16xf32> to vector<16xf32>
      %sub3A_375 = arith.subf %get3A_370, %get3A_374 : vector<16xf32>
      %mul3A_376 = arith.mulf %sub3A_375, %sub3A_375 : vector<16xf32>
      %add3A_377 = arith.addf %add3A_366, %mul3A_376 : vector<16xf32>
      %mul3A_378 = arith.constant 16 : i32
      %mul3A_379 = arith.muli %add3A_287, %mul3A_378 : i32
      %swap3A_380 = arith.index_cast %mul3A_379 : i32 to index
      %swap3A_381 = tpu.vector_load %arg14[%swap3A_380] {strides = array<i32>} : memref<2048xf32, #tpu.memory_space<vmem>>, vector<16xf32>,
      %swap3A_382 = vector.shape_cast %swap3A_381 : vector<16xf32> to vector<16xf32>
      %swap3A_383 = vector.shape_cast %add3A_377 : vector<16xf32> to vector<16xf32>
      tpu.vector_store %arg14[%swap3A_380], %swap3A_383 {strides = array<i32>} : memref<2048xf32, #tpu.memory_space<vmem>>, vector<16xf32>,
      %mul3A_384 = arith.constant 4 : i32
      %mul3A_385 = arith.muli %scan3A_185, %mul3A_384 : i32
      %add3A_386 = arith.constant 2 : i32
      %add3A_387 = arith.addi %mul3A_385, %add3A_386 : i32
      %broadcast_in_dim3A_388 = arith.constant 0.000000e+00 : f32
      %broadcast_in_dim3A_389 = vector.broadcast %broadcast_in_dim3A_388 : f32 to vector<16xf32>
      %get3A_390 = arith.index_cast %add3A_387 : i32 to index
      %get3A_391 = arith.constant 0 : index
      %get3A_392 = tpu.vector_load %arg10[%get3A_390, %get3A_391] {strides = array<i32>} : memref<128x128xf32, #tpu.memory_space<vmem>>, vector<1x16xf32>,
      %get3A_393 = vector.shape_cast %get3A_392 : vector<1x16xf32> to vector<16xf32>
      %get3A_394 = arith.index_cast %add3A_387 : i32 to index
      %get3A_395 = arith.constant 0 : index
      %get3A_396 = tpu.vector_load %arg12[%get3A_394, %get3A_395] {strides = array<i32>} : memref<128x128xf32, #tpu.memory_space<vmem>>, vector<1x16xf32>,
      %get3A_397 = vector.shape_cast %get3A_396 : vector<1x16xf32> to vector<16xf32>
      %sub3A_398 = arith.subf %get3A_393, %get3A_397 : vector<16xf32>
      %mul3A_399 = arith.mulf %sub3A_398, %sub3A_398 : vector<16xf32>
      %add3A_400 = arith.addf %broadcast_in_dim3A_389, %mul3A_399 : vector<16xf32>
      %get3A_401 = arith.index_cast %add3A_387 : i32 to index
      %get3A_402 = arith.constant 16 : index
      %get3A_403 = tpu.vector_load %arg10[%get3A_401, %get3A_402] {strides = array<i32>} : memref<128x128xf32, #tpu.memory_space<vmem>>, vector<1x16xf32>,
      %get3A_404 = vector.shape_cast %get3A_403 : vector<1x16xf32> to vector<16xf32>
      %get3A_405 = arith.index_cast %add3A_387 : i32 to index
      %get3A_406 = arith.constant 16 : index
      %get3A_407 = tpu.vector_load %arg12[%get3A_405, %get3A_406] {strides = array<i32>} : memref<128x128xf32, #tpu.memory_space<vmem>>, vector<1x16xf32>,
      %get3A_408 = vector.shape_cast %get3A_407 : vector<1x16xf32> to vector<16xf32>
      %sub3A_409 = arith.subf %get3A_404, %get3A_408 : vector<16xf32>
      %mul3A_410 = arith.mulf %sub3A_409, %sub3A_409 : vector<16xf32>
      %add3A_411 = arith.addf %add3A_400, %mul3A_410 : vector<16xf32>
      %get3A_412 = arith.index_cast %add3A_387 : i32 to index
      %get3A_413 = arith.constant 32 : index
      %get3A_414 = tpu.vector_load %arg10[%get3A_412, %get3A_413] {strides = array<i32>} : memref<128x128xf32, #tpu.memory_space<vmem>>, vector<1x16xf32>,
      %get3A_415 = vector.shape_cast %get3A_414 : vector<1x16xf32> to vector<16xf32>
      %get3A_416 = arith.index_cast %add3A_387 : i32 to index
      %get3A_417 = arith.constant 32 : index
      %get3A_418 = tpu.vector_load %arg12[%get3A_416, %get3A_417] {strides = array<i32>} : memref<128x128xf32, #tpu.memory_space<vmem>>, vector<1x16xf32>,
      %get3A_419 = vector.shape_cast %get3A_418 : vector<1x16xf32> to vector<16xf32>
      %sub3A_420 = arith.subf %get3A_415, %get3A_419 : vector<16xf32>
      %mul3A_421 = arith.mulf %sub3A_420, %sub3A_420 : vector<16xf32>
      %add3A_422 = arith.addf %add3A_411, %mul3A_421 : vector<16xf32>
      %get3A_423 = arith.index_cast %add3A_387 : i32 to index
      %get3A_424 = arith.constant 48 : index
      %get3A_425 = tpu.vector_load %arg10[%get3A_423, %get3A_424] {strides = array<i32>} : memref<128x128xf32, #tpu.memory_space<vmem>>, vector<1x16xf32>,
      %get3A_426 = vector.shape_cast %get3A_425 : vector<1x16xf32> to vector<16xf32>
      %get3A_427 = arith.index_cast %add3A_387 : i32 to index
      %get3A_428 = arith.constant 48 : index
      %get3A_429 = tpu.vector_load %arg12[%get3A_427, %get3A_428] {strides = array<i32>} : memref<128x128xf32, #tpu.memory_space<vmem>>, vector<1x16xf32>,
      %get3A_430 = vector.shape_cast %get3A_429 : vector<1x16xf32> to vector<16xf32>
      %sub3A_431 = arith.subf %get3A_426, %get3A_430 : vector<16xf32>
      %mul3A_432 = arith.mulf %sub3A_431, %sub3A_431 : vector<16xf32>
      %add3A_433 = arith.addf %add3A_422, %mul3A_432 : vector<16xf32>
      %get3A_434 = arith.index_cast %add3A_387 : i32 to index
      %get3A_435 = arith.constant 64 : index
      %get3A_436 = tpu.vector_load %arg10[%get3A_434, %get3A_435] {strides = array<i32>} : memref<128x128xf32, #tpu.memory_space<vmem>>, vector<1x16xf32>,
      %get3A_437 = vector.shape_cast %get3A_436 : vector<1x16xf32> to vector<16xf32>
      %get3A_438 = arith.index_cast %add3A_387 : i32 to index
      %get3A_439 = arith.constant 64 : index
      %get3A_440 = tpu.vector_load %arg12[%get3A_438, %get3A_439] {strides = array<i32>} : memref<128x128xf32, #tpu.memory_space<vmem>>, vector<1x16xf32>,
      %get3A_441 = vector.shape_cast %get3A_440 : vector<1x16xf32> to vector<16xf32>
      %sub3A_442 = arith.subf %get3A_437, %get3A_441 : vector<16xf32>
      %mul3A_443 = arith.mulf %sub3A_442, %sub3A_442 : vector<16xf32>
      %add3A_444 = arith.addf %add3A_433, %mul3A_443 : vector<16xf32>
      %get3A_445 = arith.index_cast %add3A_387 : i32 to index
      %get3A_446 = arith.constant 80 : index
      %get3A_447 = tpu.vector_load %arg10[%get3A_445, %get3A_446] {strides = array<i32>} : memref<128x128xf32, #tpu.memory_space<vmem>>, vector<1x16xf32>,
      %get3A_448 = vector.shape_cast %get3A_447 : vector<1x16xf32> to vector<16xf32>
      %get3A_449 = arith.index_cast %add3A_387 : i32 to index
      %get3A_450 = arith.constant 80 : index
      %get3A_451 = tpu.vector_load %arg12[%get3A_449, %get3A_450] {strides = array<i32>} : memref<128x128xf32, #tpu.memory_space<vmem>>, vector<1x16xf32>,
      %get3A_452 = vector.shape_cast %get3A_451 : vector<1x16xf32> to vector<16xf32>
      %sub3A_453 = arith.subf %get3A_448, %get3A_452 : vector<16xf32>
      %mul3A_454 = arith.mulf %sub3A_453, %sub3A_453 : vector<16xf32>
      %add3A_455 = arith.addf %add3A_444, %mul3A_454 : vector<16xf32>
      %get3A_456 = arith.index_cast %add3A_387 : i32 to index
      %get3A_457 = arith.constant 96 : index
      %get3A_458 = tpu.vector_load %arg10[%get3A_456, %get3A_457] {strides = array<i32>} : memref<128x128xf32, #tpu.memory_space<vmem>>, vector<1x16xf32>,
      %get3A_459 = vector.shape_cast %get3A_458 : vector<1x16xf32> to vector<16xf32>
      %get3A_460 = arith.index_cast %add3A_387 : i32 to index
      %get3A_461 = arith.constant 96 : index
      %get3A_462 = tpu.vector_load %arg12[%get3A_460, %get3A_461] {strides = array<i32>} : memref<128x128xf32, #tpu.memory_space<vmem>>, vector<1x16xf32>,
      %get3A_463 = vector.shape_cast %get3A_462 : vector<1x16xf32> to vector<16xf32>
      %sub3A_464 = arith.subf %get3A_459, %get3A_463 : vector<16xf32>
      %mul3A_465 = arith.mulf %sub3A_464, %sub3A_464 : vector<16xf32>
      %add3A_466 = arith.addf %add3A_455, %mul3A_465 : vector<16xf32>
      %get3A_467 = arith.index_cast %add3A_387 : i32 to index
      %get3A_468 = arith.constant 112 : index
      %get3A_469 = tpu.vector_load %arg10[%get3A_467, %get3A_468] {strides = array<i32>} : memref<128x128xf32, #tpu.memory_space<vmem>>, vector<1x16xf32>,
      %get3A_470 = vector.shape_cast %get3A_469 : vector<1x16xf32> to vector<16xf32>
      %get3A_471 = arith.index_cast %add3A_387 : i32 to index
      %get3A_472 = arith.constant 112 : index
      %get3A_473 = tpu.vector_load %arg12[%get3A_471, %get3A_472] {strides = array<i32>} : memref<128x128xf32, #tpu.memory_space<vmem>>, vector<1x16xf32>,
      %get3A_474 = vector.shape_cast %get3A_473 : vector<1x16xf32> to vector<16xf32>
      %sub3A_475 = arith.subf %get3A_470, %get3A_474 : vector<16xf32>
      %mul3A_476 = arith.mulf %sub3A_475, %sub3A_475 : vector<16xf32>
      %add3A_477 = arith.addf %add3A_466, %mul3A_476 : vector<16xf32>
      %mul3A_478 = arith.constant 16 : i32
      %mul3A_479 = arith.muli %add3A_387, %mul3A_478 : i32
      %swap3A_480 = arith.index_cast %mul3A_479 : i32 to index
      %swap3A_481 = tpu.vector_load %arg14[%swap3A_480] {strides = array<i32>} : memref<2048xf32, #tpu.memory_space<vmem>>, vector<16xf32>,
      %swap3A_482 = vector.shape_cast %swap3A_481 : vector<16xf32> to vector<16xf32>
      %swap3A_483 = vector.shape_cast %add3A_477 : vector<16xf32> to vector<16xf32>
      tpu.vector_store %arg14[%swap3A_480], %swap3A_483 {strides = array<i32>} : memref<2048xf32, #tpu.memory_space<vmem>>, vector<16xf32>,
      %mul3A_484 = arith.constant 4 : i32
      %mul3A_485 = arith.muli %scan3A_185, %mul3A_484 : i32
      %add3A_486 = arith.constant 3 : i32
      %add3A_487 = arith.addi %mul3A_485, %add3A_486 : i32
      %broadcast_in_dim3A_488 = arith.constant 0.000000e+00 : f32
      %broadcast_in_dim3A_489 = vector.broadcast %broadcast_in_dim3A_488 : f32 to vector<16xf32>
      %get3A_490 = arith.index_cast %add3A_487 : i32 to index
      %get3A_491 = arith.constant 0 : index
      %get3A_492 = tpu.vector_load %arg10[%get3A_490, %get3A_491] {strides = array<i32>} : memref<128x128xf32, #tpu.memory_space<vmem>>, vector<1x16xf32>,
      %get3A_493 = vector.shape_cast %get3A_492 : vector<1x16xf32> to vector<16xf32>
      %get3A_494 = arith.index_cast %add3A_487 : i32 to index
      %get3A_495 = arith.constant 0 : index
      %get3A_496 = tpu.vector_load %arg12[%get3A_494, %get3A_495] {strides = array<i32>} : memref<128x128xf32, #tpu.memory_space<vmem>>, vector<1x16xf32>,
      %get3A_497 = vector.shape_cast %get3A_496 : vector<1x16xf32> to vector<16xf32>
      %sub3A_498 = arith.subf %get3A_493, %get3A_497 : vector<16xf32>
      %mul3A_499 = arith.mulf %sub3A_498, %sub3A_498 : vector<16xf32>
      %add3A_500 = arith.addf %broadcast_in_dim3A_489, %mul3A_499 : vector<16xf32>
      %get3A_501 = arith.index_cast %add3A_487 : i32 to index
      %get3A_502 = arith.constant 16 : index
      %get3A_503 = tpu.vector_load %arg10[%get3A_501, %get3A_502] {strides = array<i32>} : memref<128x128xf32, #tpu.memory_space<vmem>>, vector<1x16xf32>,
      %get3A_504 = vector.shape_cast %get3A_503 : vector<1x16xf32> to vector<16xf32>
      %get3A_505 = arith.index_cast %add3A_487 : i32 to index
      %get3A_506 = arith.constant 16 : index
      %get3A_507 = tpu.vector_load %arg12[%get3A_505, %get3A_506] {strides = array<i32>} : memref<128x128xf32, #tpu.memory_space<vmem>>, vector<1x16xf32>,
      %get3A_508 = vector.shape_cast %get3A_507 : vector<1x16xf32> to vector<16xf32>
      %sub3A_509 = arith.subf %get3A_504, %get3A_508 : vector<16xf32>
      %mul3A_510 = arith.mulf %sub3A_509, %sub3A_509 : vector<16xf32>
      %add3A_511 = arith.addf %add3A_500, %mul3A_510 : vector<16xf32>
      %get3A_512 = arith.index_cast %add3A_487 : i32 to index
      %get3A_513 = arith.constant 32 : index
      %get3A_514 = tpu.vector_load %arg10[%get3A_512, %get3A_513] {strides = array<i32>} : memref<128x128xf32, #tpu.memory_space<vmem>>, vector<1x16xf32>,
      %get3A_515 = vector.shape_cast %get3A_514 : vector<1x16xf32> to vector<16xf32>
      %get3A_516 = arith.index_cast %add3A_487 : i32 to index
      %get3A_517 = arith.constant 32 : index
      %get3A_518 = tpu.vector_load %arg12[%get3A_516, %get3A_517] {strides = array<i32>} : memref<128x128xf32, #tpu.memory_space<vmem>>, vector<1x16xf32>,
      %get3A_519 = vector.shape_cast %get3A_518 : vector<1x16xf32> to vector<16xf32>
      %sub3A_520 = arith.subf %get3A_515, %get3A_519 : vector<16xf32>
      %mul3A_521 = arith.mulf %sub3A_520, %sub3A_520 : vector<16xf32>
      %add3A_522 = arith.addf %add3A_511, %mul3A_521 : vector<16xf32>
      %get3A_523 = arith.index_cast %add3A_487 : i32 to index
      %get3A_524 = arith.constant 48 : index
      %get3A_525 = tpu.vector_load %arg10[%get3A_523, %get3A_524] {strides = array<i32>} : memref<128x128xf32, #tpu.memory_space<vmem>>, vector<1x16xf32>,
      %get3A_526 = vector.shape_cast %get3A_525 : vector<1x16xf32> to vector<16xf32>
      %get3A_527 = arith.index_cast %add3A_487 : i32 to index
      %get3A_528 = arith.constant 48 : index
      %get3A_529 = tpu.vector_load %arg12[%get3A_527, %get3A_528] {strides = array<i32>} : memref<128x128xf32, #tpu.memory_space<vmem>>, vector<1x16xf32>,
      %get3A_530 = vector.shape_cast %get3A_529 : vector<1x16xf32> to vector<16xf32>
      %sub3A_531 = arith.subf %get3A_526, %get3A_530 : vector<16xf32>
      %mul3A_532 = arith.mulf %sub3A_531, %sub3A_531 : vector<16xf32>
      %add3A_533 = arith.addf %add3A_522, %mul3A_532 : vector<16xf32>
      %get3A_534 = arith.index_cast %add3A_487 : i32 to index
      %get3A_535 = arith.constant 64 : index
      %get3A_536 = tpu.vector_load %arg10[%get3A_534, %get3A_535] {strides = array<i32>} : memref<128x128xf32, #tpu.memory_space<vmem>>, vector<1x16xf32>,
      %get3A_537 = vector.shape_cast %get3A_536 : vector<1x16xf32> to vector<16xf32>
      %get3A_538 = arith.index_cast %add3A_487 : i32 to index
      %get3A_539 = arith.constant 64 : index
      %get3A_540 = tpu.vector_load %arg12[%get3A_538, %get3A_539] {strides = array<i32>} : memref<128x128xf32, #tpu.memory_space<vmem>>, vector<1x16xf32>,
      %get3A_541 = vector.shape_cast %get3A_540 : vector<1x16xf32> to vector<16xf32>
      %sub3A_542 = arith.subf %get3A_537, %get3A_541 : vector<16xf32>
      %mul3A_543 = arith.mulf %sub3A_542, %sub3A_542 : vector<16xf32>
      %add3A_544 = arith.addf %add3A_533, %mul3A_543 : vector<16xf32>
      %get3A_545 = arith.index_cast %add3A_487 : i32 to index
      %get3A_546 = arith.constant 80 : index
      %get3A_547 = tpu.vector_load %arg10[%get3A_545, %get3A_546] {strides = array<i32>} : memref<128x128xf32, #tpu.memory_space<vmem>>, vector<1x16xf32>,
      %get3A_548 = vector.shape_cast %get3A_547 : vector<1x16xf32> to vector<16xf32>
      %get3A_549 = arith.index_cast %add3A_487 : i32 to index
      %get3A_550 = arith.constant 80 : index
      %get3A_551 = tpu.vector_load %arg12[%get3A_549, %get3A_550] {strides = array<i32>} : memref<128x128xf32, #tpu.memory_space<vmem>>, vector<1x16xf32>,
      %get3A_552 = vector.shape_cast %get3A_551 : vector<1x16xf32> to vector<16xf32>
      %sub3A_553 = arith.subf %get3A_548, %get3A_552 : vector<16xf32>
      %mul3A_554 = arith.mulf %sub3A_553, %sub3A_553 : vector<16xf32>
      %add3A_555 = arith.addf %add3A_544, %mul3A_554 : vector<16xf32>
      %get3A_556 = arith.index_cast %add3A_487 : i32 to index
      %get3A_557 = arith.constant 96 : index
      %get3A_558 = tpu.vector_load %arg10[%get3A_556, %get3A_557] {strides = array<i32>} : memref<128x128xf32, #tpu.memory_space<vmem>>, vector<1x16xf32>,
      %get3A_559 = vector.shape_cast %get3A_558 : vector<1x16xf32> to vector<16xf32>
      %get3A_560 = arith.index_cast %add3A_487 : i32 to index
      %get3A_561 = arith.constant 96 : index
      %get3A_562 = tpu.vector_load %arg12[%get3A_560, %get3A_561] {strides = array<i32>} : memref<128x128xf32, #tpu.memory_space<vmem>>, vector<1x16xf32>,
      %get3A_563 = vector.shape_cast %get3A_562 : vector<1x16xf32> to vector<16xf32>
      %sub3A_564 = arith.subf %get3A_559, %get3A_563 : vector<16xf32>
      %mul3A_565 = arith.mulf %sub3A_564, %sub3A_564 : vector<16xf32>
      %add3A_566 = arith.addf %add3A_555, %mul3A_565 : vector<16xf32>
      %get3A_567 = arith.index_cast %add3A_487 : i32 to index
      %get3A_568 = arith.constant 112 : index
      %get3A_569 = tpu.vector_load %arg10[%get3A_567, %get3A_568] {strides = array<i32>} : memref<128x128xf32, #tpu.memory_space<vmem>>, vector<1x16xf32>,
      %get3A_570 = vector.shape_cast %get3A_569 : vector<1x16xf32> to vector<16xf32>
      %get3A_571 = arith.index_cast %add3A_487 : i32 to index
      %get3A_572 = arith.constant 112 : index
      %get3A_573 = tpu.vector_load %arg12[%get3A_571, %get3A_572] {strides = array<i32>} : memref<128x128xf32, #tpu.memory_space<vmem>>, vector<1x16xf32>,
      %get3A_574 = vector.shape_cast %get3A_573 : vector<1x16xf32> to vector<16xf32>
      %sub3A_575 = arith.subf %get3A_570, %get3A_574 : vector<16xf32>
      %mul3A_576 = arith.mulf %sub3A_575, %sub3A_575 : vector<16xf32>
      %add3A_577 = arith.addf %add3A_566, %mul3A_576 : vector<16xf32>
      %mul3A_578 = arith.constant 16 : i32
      %mul3A_579 = arith.muli %add3A_487, %mul3A_578 : i32
      %swap3A_580 = arith.index_cast %mul3A_579 : i32 to index
      %swap3A_581 = tpu.vector_load %arg14[%swap3A_580] {strides = array<i32>} : memref<2048xf32, #tpu.memory_space<vmem>>, vector<16xf32>,
      %swap3A_582 = vector.shape_cast %swap3A_581 : vector<16xf32> to vector<16xf32>
      %swap3A_583 = vector.shape_cast %add3A_577 : vector<16xf32> to vector<16xf32>
      tpu.vector_store %arg14[%swap3A_580], %swap3A_583 {strides = array<i32>} : memref<2048xf32, #tpu.memory_space<vmem>>, vector<16xf32>,
    }
    %scan3A_171 = arith.constant 32 : i32
    %dma_wait3A_172 = arith.constant 0 : i32
    %dma_wait3A_173 = arith.constant 0 : i32
    %dma_wait3A_174 = tpu.memref_slice %arg2[%dma_wait3A_172, %dma_wait3A_173] : memref<4096x128xf32, #tpu.memory_space<hbm>> -> memref<4096x128xf32, #tpu.memory_space<hbm>>
    tpu.wait_indirect_dma semaphore(%arg17 : memref<!tpu.dma_semaphore, #tpu.memory_space<semaphore_mem>>) src(%dma_wait3A_174 : memref<4096x128xf32, #tpu.memory_space<hbm>>) dst(%arg11 : memref<128x128xf32, #tpu.memory_space<vmem>>)
    %scan3A_175 = arith.constant 0 : i32
    %scan3A_176 = arith.constant 0 : i32
    %scan3A_177 = arith.constant 32 : i32
    %scan3A_178 = arith.addi %scan3A_176, %scan3A_177 : i32
    %scan3A_179 = arith.constant 1 : i32
    scf.for %scan3A_185 = %scan3A_176 to %scan3A_178 step %scan3A_179  : i32 {
      %mul3A_186 = arith.constant 4 : i32
      %mul3A_187 = arith.muli %scan3A_185, %mul3A_186 : i32
      %add3A_188 = arith.constant 0 : i32
      %add3A_189 = arith.addi %mul3A_187, %add3A_188 : i32
      %broadcast_in_dim3A = arith.constant 0.000000e+00 : f32
      %broadcast_in_dim3A_190 = vector.broadcast %broadcast_in_dim3A : f32 to vector<16xf32>
      %get3A_191 = arith.index_cast %add3A_189 : i32 to index
      %get3A_192 = arith.constant 0 : index
      %get3A_193 = tpu.vector_load %arg11[%get3A_191, %get3A_192] {strides = array<i32>} : memref<128x128xf32, #tpu.memory_space<vmem>>, vector<1x16xf32>,
      %get3A_194 = vector.shape_cast %get3A_193 : vector<1x16xf32> to vector<16xf32>
      %get3A_195 = arith.index_cast %add3A_189 : i32 to index
      %get3A_196 = arith.constant 0 : index
      %get3A_197 = tpu.vector_load %arg13[%get3A_195, %get3A_196] {strides = array<i32>} : memref<128x128xf32, #tpu.memory_space<vmem>>, vector<1x16xf32>,
      %get3A_198 = vector.shape_cast %get3A_197 : vector<1x16xf32> to vector<16xf32>
      %sub3A = arith.subf %get3A_194, %get3A_198 : vector<16xf32>
      %mul3A_199 = arith.mulf %sub3A, %sub3A : vector<16xf32>
      %add3A_200 = arith.addf %broadcast_in_dim3A_190, %mul3A_199 : vector<16xf32>
      %get3A_201 = arith.index_cast %add3A_189 : i32 to index
      %get3A_202 = arith.constant 16 : index
      %get3A_203 = tpu.vector_load %arg11[%get3A_201, %get3A_202] {strides = array<i32>} : memref<128x128xf32, #tpu.memory_space<vmem>>, vector<1x16xf32>,
      %get3A_204 = vector.shape_cast %get3A_203 : vector<1x16xf32> to vector<16xf32>
      %get3A_205 = arith.index_cast %add3A_189 : i32 to index
      %get3A_206 = arith.constant 16 : index
      %get3A_207 = tpu.vector_load %arg13[%get3A_205, %get3A_206] {strides = array<i32>} : memref<128x128xf32, #tpu.memory_space<vmem>>, vector<1x16xf32>,
      %get3A_208 = vector.shape_cast %get3A_207 : vector<1x16xf32> to vector<16xf32>
      %sub3A_209 = arith.subf %get3A_204, %get3A_208 : vector<16xf32>
      %mul3A_210 = arith.mulf %sub3A_209, %sub3A_209 : vector<16xf32>
      %add3A_211 = arith.addf %add3A_200, %mul3A_210 : vector<16xf32>
      %get3A_212 = arith.index_cast %add3A_189 : i32 to index
      %get3A_213 = arith.constant 32 : index
      %get3A_214 = tpu.vector_load %arg11[%get3A_212, %get3A_213] {strides = array<i32>} : memref<128x128xf32, #tpu.memory_space<vmem>>, vector<1x16xf32>,
      %get3A_215 = vector.shape_cast %get3A_214 : vector<1x16xf32> to vector<16xf32>
      %get3A_216 = arith.index_cast %add3A_189 : i32 to index
      %get3A_217 = arith.constant 32 : index
      %get3A_218 = tpu.vector_load %arg13[%get3A_216, %get3A_217] {strides = array<i32>} : memref<128x128xf32, #tpu.memory_space<vmem>>, vector<1x16xf32>,
      %get3A_219 = vector.shape_cast %get3A_218 : vector<1x16xf32> to vector<16xf32>
      %sub3A_220 = arith.subf %get3A_215, %get3A_219 : vector<16xf32>
      %mul3A_221 = arith.mulf %sub3A_220, %sub3A_220 : vector<16xf32>
      %add3A_222 = arith.addf %add3A_211, %mul3A_221 : vector<16xf32>
      %get3A_223 = arith.index_cast %add3A_189 : i32 to index
      %get3A_224 = arith.constant 48 : index
      %get3A_225 = tpu.vector_load %arg11[%get3A_223, %get3A_224] {strides = array<i32>} : memref<128x128xf32, #tpu.memory_space<vmem>>, vector<1x16xf32>,
      %get3A_226 = vector.shape_cast %get3A_225 : vector<1x16xf32> to vector<16xf32>
      %get3A_227 = arith.index_cast %add3A_189 : i32 to index
      %get3A_228 = arith.constant 48 : index
      %get3A_229 = tpu.vector_load %arg13[%get3A_227, %get3A_228] {strides = array<i32>} : memref<128x128xf32, #tpu.memory_space<vmem>>, vector<1x16xf32>,
      %get3A_230 = vector.shape_cast %get3A_229 : vector<1x16xf32> to vector<16xf32>
      %sub3A_231 = arith.subf %get3A_226, %get3A_230 : vector<16xf32>
      %mul3A_232 = arith.mulf %sub3A_231, %sub3A_231 : vector<16xf32>
      %add3A_233 = arith.addf %add3A_222, %mul3A_232 : vector<16xf32>
      %get3A_234 = arith.index_cast %add3A_189 : i32 to index
      %get3A_235 = arith.constant 64 : index
      %get3A_236 = tpu.vector_load %arg11[%get3A_234, %get3A_235] {strides = array<i32>} : memref<128x128xf32, #tpu.memory_space<vmem>>, vector<1x16xf32>,
      %get3A_237 = vector.shape_cast %get3A_236 : vector<1x16xf32> to vector<16xf32>
      %get3A_238 = arith.index_cast %add3A_189 : i32 to index
      %get3A_239 = arith.constant 64 : index
      %get3A_240 = tpu.vector_load %arg13[%get3A_238, %get3A_239] {strides = array<i32>} : memref<128x128xf32, #tpu.memory_space<vmem>>, vector<1x16xf32>,
      %get3A_241 = vector.shape_cast %get3A_240 : vector<1x16xf32> to vector<16xf32>
      %sub3A_242 = arith.subf %get3A_237, %get3A_241 : vector<16xf32>
      %mul3A_243 = arith.mulf %sub3A_242, %sub3A_242 : vector<16xf32>
      %add3A_244 = arith.addf %add3A_233, %mul3A_243 : vector<16xf32>
      %get3A_245 = arith.index_cast %add3A_189 : i32 to index
      %get3A_246 = arith.constant 80 : index
      %get3A_247 = tpu.vector_load %arg11[%get3A_245, %get3A_246] {strides = array<i32>} : memref<128x128xf32, #tpu.memory_space<vmem>>, vector<1x16xf32>,
      %get3A_248 = vector.shape_cast %get3A_247 : vector<1x16xf32> to vector<16xf32>
      %get3A_249 = arith.index_cast %add3A_189 : i32 to index
      %get3A_250 = arith.constant 80 : index
      %get3A_251 = tpu.vector_load %arg13[%get3A_249, %get3A_250] {strides = array<i32>} : memref<128x128xf32, #tpu.memory_space<vmem>>, vector<1x16xf32>,
      %get3A_252 = vector.shape_cast %get3A_251 : vector<1x16xf32> to vector<16xf32>
      %sub3A_253 = arith.subf %get3A_248, %get3A_252 : vector<16xf32>
      %mul3A_254 = arith.mulf %sub3A_253, %sub3A_253 : vector<16xf32>
      %add3A_255 = arith.addf %add3A_244, %mul3A_254 : vector<16xf32>
      %get3A_256 = arith.index_cast %add3A_189 : i32 to index
      %get3A_257 = arith.constant 96 : index
      %get3A_258 = tpu.vector_load %arg11[%get3A_256, %get3A_257] {strides = array<i32>} : memref<128x128xf32, #tpu.memory_space<vmem>>, vector<1x16xf32>,
      %get3A_259 = vector.shape_cast %get3A_258 : vector<1x16xf32> to vector<16xf32>
      %get3A_260 = arith.index_cast %add3A_189 : i32 to index
      %get3A_261 = arith.constant 96 : index
      %get3A_262 = tpu.vector_load %arg13[%get3A_260, %get3A_261] {strides = array<i32>} : memref<128x128xf32, #tpu.memory_space<vmem>>, vector<1x16xf32>,
      %get3A_263 = vector.shape_cast %get3A_262 : vector<1x16xf32> to vector<16xf32>
      %sub3A_264 = arith.subf %get3A_259, %get3A_263 : vector<16xf32>
      %mul3A_265 = arith.mulf %sub3A_264, %sub3A_264 : vector<16xf32>
      %add3A_266 = arith.addf %add3A_255, %mul3A_265 : vector<16xf32>
      %get3A_267 = arith.index_cast %add3A_189 : i32 to index
      %get3A_268 = arith.constant 112 : index
      %get3A_269 = tpu.vector_load %arg11[%get3A_267, %get3A_268] {strides = array<i32>} : memref<128x128xf32, #tpu.memory_space<vmem>>, vector<1x16xf32>,
      %get3A_270 = vector.shape_cast %get3A_269 : vector<1x16xf32> to vector<16xf32>
      %get3A_271 = arith.index_cast %add3A_189 : i32 to index
      %get3A_272 = arith.constant 112 : index
      %get3A_273 = tpu.vector_load %arg13[%get3A_271, %get3A_272] {strides = array<i32>} : memref<128x128xf32, #tpu.memory_space<vmem>>, vector<1x16xf32>,
      %get3A_274 = vector.shape_cast %get3A_273 : vector<1x16xf32> to vector<16xf32>
      %sub3A_275 = arith.subf %get3A_270, %get3A_274 : vector<16xf32>
      %mul3A_276 = arith.mulf %sub3A_275, %sub3A_275 : vector<16xf32>
      %add3A_277 = arith.addf %add3A_266, %mul3A_276 : vector<16xf32>
      %mul3A_278 = arith.constant 16 : i32
      %mul3A_279 = arith.muli %add3A_189, %mul3A_278 : i32
      %swap3A_280 = arith.index_cast %mul3A_279 : i32 to index
      %swap3A_281 = tpu.vector_load %arg15[%swap3A_280] {strides = array<i32>} : memref<2048xf32, #tpu.memory_space<vmem>>, vector<16xf32>,
      %swap3A_282 = vector.shape_cast %swap3A_281 : vector<16xf32> to vector<16xf32>
      %swap3A_283 = vector.shape_cast %add3A_277 : vector<16xf32> to vector<16xf32>
      tpu.vector_store %arg15[%swap3A_280], %swap3A_283 {strides = array<i32>} : memref<2048xf32, #tpu.memory_space<vmem>>, vector<16xf32>,
      %mul3A_284 = arith.constant 4 : i32
      %mul3A_285 = arith.muli %scan3A_185, %mul3A_284 : i32
      %add3A_286 = arith.constant 1 : i32
      %add3A_287 = arith.addi %mul3A_285, %add3A_286 : i32
      %broadcast_in_dim3A_288 = arith.constant 0.000000e+00 : f32
      %broadcast_in_dim3A_289 = vector.broadcast %broadcast_in_dim3A_288 : f32 to vector<16xf32>
      %get3A_290 = arith.index_cast %add3A_287 : i32 to index
      %get3A_291 = arith.constant 0 : index
      %get3A_292 = tpu.vector_load %arg11[%get3A_290, %get3A_291] {strides = array<i32>} : memref<128x128xf32, #tpu.memory_space<vmem>>, vector<1x16xf32>,
      %get3A_293 = vector.shape_cast %get3A_292 : vector<1x16xf32> to vector<16xf32>
      %get3A_294 = arith.index_cast %add3A_287 : i32 to index
      %get3A_295 = arith.constant 0 : index
      %get3A_296 = tpu.vector_load %arg13[%get3A_294, %get3A_295] {strides = array<i32>} : memref<128x128xf32, #tpu.memory_space<vmem>>, vector<1x16xf32>,
      %get3A_297 = vector.shape_cast %get3A_296 : vector<1x16xf32> to vector<16xf32>
      %sub3A_298 = arith.subf %get3A_293, %get3A_297 : vector<16xf32>
      %mul3A_299 = arith.mulf %sub3A_298, %sub3A_298 : vector<16xf32>
      %add3A_300 = arith.addf %broadcast_in_dim3A_289, %mul3A_299 : vector<16xf32>
      %get3A_301 = arith.index_cast %add3A_287 : i32 to index
      %get3A_302 = arith.constant 16 : index
      %get3A_303 = tpu.vector_load %arg11[%get3A_301, %get3A_302] {strides = array<i32>} : memref<128x128xf32, #tpu.memory_space<vmem>>, vector<1x16xf32>,
      %get3A_304 = vector.shape_cast %get3A_303 : vector<1x16xf32> to vector<16xf32>
      %get3A_305 = arith.index_cast %add3A_287 : i32 to index
      %get3A_306 = arith.constant 16 : index
      %get3A_307 = tpu.vector_load %arg13[%get3A_305, %get3A_306] {strides = array<i32>} : memref<128x128xf32, #tpu.memory_space<vmem>>, vector<1x16xf32>,
      %get3A_308 = vector.shape_cast %get3A_307 : vector<1x16xf32> to vector<16xf32>
      %sub3A_309 = arith.subf %get3A_304, %get3A_308 : vector<16xf32>
      %mul3A_310 = arith.mulf %sub3A_309, %sub3A_309 : vector<16xf32>
      %add3A_311 = arith.addf %add3A_300, %mul3A_310 : vector<16xf32>
      %get3A_312 = arith.index_cast %add3A_287 : i32 to index
      %get3A_313 = arith.constant 32 : index
      %get3A_314 = tpu.vector_load %arg11[%get3A_312, %get3A_313] {strides = array<i32>} : memref<128x128xf32, #tpu.memory_space<vmem>>, vector<1x16xf32>,
      %get3A_315 = vector.shape_cast %get3A_314 : vector<1x16xf32> to vector<16xf32>
      %get3A_316 = arith.index_cast %add3A_287 : i32 to index
      %get3A_317 = arith.constant 32 : index
      %get3A_318 = tpu.vector_load %arg13[%get3A_316, %get3A_317] {strides = array<i32>} : memref<128x128xf32, #tpu.memory_space<vmem>>, vector<1x16xf32>,
      %get3A_319 = vector.shape_cast %get3A_318 : vector<1x16xf32> to vector<16xf32>
      %sub3A_320 = arith.subf %get3A_315, %get3A_319 : vector<16xf32>
      %mul3A_321 = arith.mulf %sub3A_320, %sub3A_320 : vector<16xf32>
      %add3A_322 = arith.addf %add3A_311, %mul3A_321 : vector<16xf32>
      %get3A_323 = arith.index_cast %add3A_287 : i32 to index
      %get3A_324 = arith.constant 48 : index
      %get3A_325 = tpu.vector_load %arg11[%get3A_323, %get3A_324] {strides = array<i32>} : memref<128x128xf32, #tpu.memory_space<vmem>>, vector<1x16xf32>,
      %get3A_326 = vector.shape_cast %get3A_325 : vector<1x16xf32> to vector<16xf32>
      %get3A_327 = arith.index_cast %add3A_287 : i32 to index
      %get3A_328 = arith.constant 48 : index
      %get3A_329 = tpu.vector_load %arg13[%get3A_327, %get3A_328] {strides = array<i32>} : memref<128x128xf32, #tpu.memory_space<vmem>>, vector<1x16xf32>,
      %get3A_330 = vector.shape_cast %get3A_329 : vector<1x16xf32> to vector<16xf32>
      %sub3A_331 = arith.subf %get3A_326, %get3A_330 : vector<16xf32>
      %mul3A_332 = arith.mulf %sub3A_331, %sub3A_331 : vector<16xf32>
      %add3A_333 = arith.addf %add3A_322, %mul3A_332 : vector<16xf32>
      %get3A_334 = arith.index_cast %add3A_287 : i32 to index
      %get3A_335 = arith.constant 64 : index
      %get3A_336 = tpu.vector_load %arg11[%get3A_334, %get3A_335] {strides = array<i32>} : memref<128x128xf32, #tpu.memory_space<vmem>>, vector<1x16xf32>,
      %get3A_337 = vector.shape_cast %get3A_336 : vector<1x16xf32> to vector<16xf32>
      %get3A_338 = arith.index_cast %add3A_287 : i32 to index
      %get3A_339 = arith.constant 64 : index
      %get3A_340 = tpu.vector_load %arg13[%get3A_338, %get3A_339] {strides = array<i32>} : memref<128x128xf32, #tpu.memory_space<vmem>>, vector<1x16xf32>,
      %get3A_341 = vector.shape_cast %get3A_340 : vector<1x16xf32> to vector<16xf32>
      %sub3A_342 = arith.subf %get3A_337, %get3A_341 : vector<16xf32>
      %mul3A_343 = arith.mulf %sub3A_342, %sub3A_342 : vector<16xf32>
      %add3A_344 = arith.addf %add3A_333, %mul3A_343 : vector<16xf32>
      %get3A_345 = arith.index_cast %add3A_287 : i32 to index
      %get3A_346 = arith.constant 80 : index
      %get3A_347 = tpu.vector_load %arg11[%get3A_345, %get3A_346] {strides = array<i32>} : memref<128x128xf32, #tpu.memory_space<vmem>>, vector<1x16xf32>,
      %get3A_348 = vector.shape_cast %get3A_347 : vector<1x16xf32> to vector<16xf32>
      %get3A_349 = arith.index_cast %add3A_287 : i32 to index
      %get3A_350 = arith.constant 80 : index
      %get3A_351 = tpu.vector_load %arg13[%get3A_349, %get3A_350] {strides = array<i32>} : memref<128x128xf32, #tpu.memory_space<vmem>>, vector<1x16xf32>,
      %get3A_352 = vector.shape_cast %get3A_351 : vector<1x16xf32> to vector<16xf32>
      %sub3A_353 = arith.subf %get3A_348, %get3A_352 : vector<16xf32>
      %mul3A_354 = arith.mulf %sub3A_353, %sub3A_353 : vector<16xf32>
      %add3A_355 = arith.addf %add3A_344, %mul3A_354 : vector<16xf32>
      %get3A_356 = arith.index_cast %add3A_287 : i32 to index
      %get3A_357 = arith.constant 96 : index
      %get3A_358 = tpu.vector_load %arg11[%get3A_356, %get3A_357] {strides = array<i32>} : memref<128x128xf32, #tpu.memory_space<vmem>>, vector<1x16xf32>,
      %get3A_359 = vector.shape_cast %get3A_358 : vector<1x16xf32> to vector<16xf32>
      %get3A_360 = arith.index_cast %add3A_287 : i32 to index
      %get3A_361 = arith.constant 96 : index
      %get3A_362 = tpu.vector_load %arg13[%get3A_360, %get3A_361] {strides = array<i32>} : memref<128x128xf32, #tpu.memory_space<vmem>>, vector<1x16xf32>,
      %get3A_363 = vector.shape_cast %get3A_362 : vector<1x16xf32> to vector<16xf32>
      %sub3A_364 = arith.subf %get3A_359, %get3A_363 : vector<16xf32>
      %mul3A_365 = arith.mulf %sub3A_364, %sub3A_364 : vector<16xf32>
      %add3A_366 = arith.addf %add3A_355, %mul3A_365 : vector<16xf32>
      %get3A_367 = arith.index_cast %add3A_287 : i32 to index
      %get3A_368 = arith.constant 112 : index
      %get3A_369 = tpu.vector_load %arg11[%get3A_367, %get3A_368] {strides = array<i32>} : memref<128x128xf32, #tpu.memory_space<vmem>>, vector<1x16xf32>,
      %get3A_370 = vector.shape_cast %get3A_369 : vector<1x16xf32> to vector<16xf32>
      %get3A_371 = arith.index_cast %add3A_287 : i32 to index
      %get3A_372 = arith.constant 112 : index
      %get3A_373 = tpu.vector_load %arg13[%get3A_371, %get3A_372] {strides = array<i32>} : memref<128x128xf32, #tpu.memory_space<vmem>>, vector<1x16xf32>,
      %get3A_374 = vector.shape_cast %get3A_373 : vector<1x16xf32> to vector<16xf32>
      %sub3A_375 = arith.subf %get3A_370, %get3A_374 : vector<16xf32>
      %mul3A_376 = arith.mulf %sub3A_375, %sub3A_375 : vector<16xf32>
      %add3A_377 = arith.addf %add3A_366, %mul3A_376 : vector<16xf32>
      %mul3A_378 = arith.constant 16 : i32
      %mul3A_379 = arith.muli %add3A_287, %mul3A_378 : i32
      %swap3A_380 = arith.index_cast %mul3A_379 : i32 to index
      %swap3A_381 = tpu.vector_load %arg15[%swap3A_380] {strides = array<i32>} : memref<2048xf32, #tpu.memory_space<vmem>>, vector<16xf32>,
      %swap3A_382 = vector.shape_cast %swap3A_381 : vector<16xf32> to vector<16xf32>
      %swap3A_383 = vector.shape_cast %add3A_377 : vector<16xf32> to vector<16xf32>
      tpu.vector_store %arg15[%swap3A_380], %swap3A_383 {strides = array<i32>} : memref<2048xf32, #tpu.memory_space<vmem>>, vector<16xf32>,
      %mul3A_384 = arith.constant 4 : i32
      %mul3A_385 = arith.muli %scan3A_185, %mul3A_384 : i32
      %add3A_386 = arith.constant 2 : i32
      %add3A_387 = arith.addi %mul3A_385, %add3A_386 : i32
      %broadcast_in_dim3A_388 = arith.constant 0.000000e+00 : f32
      %broadcast_in_dim3A_389 = vector.broadcast %broadcast_in_dim3A_388 : f32 to vector<16xf32>
      %get3A_390 = arith.index_cast %add3A_387 : i32 to index
      %get3A_391 = arith.constant 0 : index
      %get3A_392 = tpu.vector_load %arg11[%get3A_390, %get3A_391] {strides = array<i32>} : memref<128x128xf32, #tpu.memory_space<vmem>>, vector<1x16xf32>,
      %get3A_393 = vector.shape_cast %get3A_392 : vector<1x16xf32> to vector<16xf32>
      %get3A_394 = arith.index_cast %add3A_387 : i32 to index
      %get3A_395 = arith.constant 0 : index
      %get3A_396 = tpu.vector_load %arg13[%get3A_394, %get3A_395] {strides = array<i32>} : memref<128x128xf32, #tpu.memory_space<vmem>>, vector<1x16xf32>,
      %get3A_397 = vector.shape_cast %get3A_396 : vector<1x16xf32> to vector<16xf32>
      %sub3A_398 = arith.subf %get3A_393, %get3A_397 : vector<16xf32>
      %mul3A_399 = arith.mulf %sub3A_398, %sub3A_398 : vector<16xf32>
      %add3A_400 = arith.addf %broadcast_in_dim3A_389, %mul3A_399 : vector<16xf32>
      %get3A_401 = arith.index_cast %add3A_387 : i32 to index
      %get3A_402 = arith.constant 16 : index
      %get3A_403 = tpu.vector_load %arg11[%get3A_401, %get3A_402] {strides = array<i32>} : memref<128x128xf32, #tpu.memory_space<vmem>>, vector<1x16xf32>,
      %get3A_404 = vector.shape_cast %get3A_403 : vector<1x16xf32> to vector<16xf32>
      %get3A_405 = arith.index_cast %add3A_387 : i32 to index
      %get3A_406 = arith.constant 16 : index
      %get3A_407 = tpu.vector_load %arg13[%get3A_405, %get3A_406] {strides = array<i32>} : memref<128x128xf32, #tpu.memory_space<vmem>>, vector<1x16xf32>,
      %get3A_408 = vector.shape_cast %get3A_407 : vector<1x16xf32> to vector<16xf32>
      %sub3A_409 = arith.subf %get3A_404, %get3A_408 : vector<16xf32>
      %mul3A_410 = arith.mulf %sub3A_409, %sub3A_409 : vector<16xf32>
      %add3A_411 = arith.addf %add3A_400, %mul3A_410 : vector<16xf32>
      %get3A_412 = arith.index_cast %add3A_387 : i32 to index
      %get3A_413 = arith.constant 32 : index
      %get3A_414 = tpu.vector_load %arg11[%get3A_412, %get3A_413] {strides = array<i32>} : memref<128x128xf32, #tpu.memory_space<vmem>>, vector<1x16xf32>,
      %get3A_415 = vector.shape_cast %get3A_414 : vector<1x16xf32> to vector<16xf32>
      %get3A_416 = arith.index_cast %add3A_387 : i32 to index
      %get3A_417 = arith.constant 32 : index
      %get3A_418 = tpu.vector_load %arg13[%get3A_416, %get3A_417] {strides = array<i32>} : memref<128x128xf32, #tpu.memory_space<vmem>>, vector<1x16xf32>,
      %get3A_419 = vector.shape_cast %get3A_418 : vector<1x16xf32> to vector<16xf32>
      %sub3A_420 = arith.subf %get3A_415, %get3A_419 : vector<16xf32>
      %mul3A_421 = arith.mulf %sub3A_420, %sub3A_420 : vector<16xf32>
      %add3A_422 = arith.addf %add3A_411, %mul3A_421 : vector<16xf32>
      %get3A_423 = arith.index_cast %add3A_387 : i32 to index
      %get3A_424 = arith.constant 48 : index
      %get3A_425 = tpu.vector_load %arg11[%get3A_423, %get3A_424] {strides = array<i32>} : memref<128x128xf32, #tpu.memory_space<vmem>>, vector<1x16xf32>,
      %get3A_426 = vector.shape_cast %get3A_425 : vector<1x16xf32> to vector<16xf32>
      %get3A_427 = arith.index_cast %add3A_387 : i32 to index
      %get3A_428 = arith.constant 48 : index
      %get3A_429 = tpu.vector_load %arg13[%get3A_427, %get3A_428] {strides = array<i32>} : memref<128x128xf32, #tpu.memory_space<vmem>>, vector<1x16xf32>,
      %get3A_430 = vector.shape_cast %get3A_429 : vector<1x16xf32> to vector<16xf32>
      %sub3A_431 = arith.subf %get3A_426, %get3A_430 : vector<16xf32>
      %mul3A_432 = arith.mulf %sub3A_431, %sub3A_431 : vector<16xf32>
      %add3A_433 = arith.addf %add3A_422, %mul3A_432 : vector<16xf32>
      %get3A_434 = arith.index_cast %add3A_387 : i32 to index
      %get3A_435 = arith.constant 64 : index
      %get3A_436 = tpu.vector_load %arg11[%get3A_434, %get3A_435] {strides = array<i32>} : memref<128x128xf32, #tpu.memory_space<vmem>>, vector<1x16xf32>,
      %get3A_437 = vector.shape_cast %get3A_436 : vector<1x16xf32> to vector<16xf32>
      %get3A_438 = arith.index_cast %add3A_387 : i32 to index
      %get3A_439 = arith.constant 64 : index
      %get3A_440 = tpu.vector_load %arg13[%get3A_438, %get3A_439] {strides = array<i32>} : memref<128x128xf32, #tpu.memory_space<vmem>>, vector<1x16xf32>,
      %get3A_441 = vector.shape_cast %get3A_440 : vector<1x16xf32> to vector<16xf32>
      %sub3A_442 = arith.subf %get3A_437, %get3A_441 : vector<16xf32>
      %mul3A_443 = arith.mulf %sub3A_442, %sub3A_442 : vector<16xf32>
      %add3A_444 = arith.addf %add3A_433, %mul3A_443 : vector<16xf32>
      %get3A_445 = arith.index_cast %add3A_387 : i32 to index
      %get3A_446 = arith.constant 80 : index
      %get3A_447 = tpu.vector_load %arg11[%get3A_445, %get3A_446] {strides = array<i32>} : memref<128x128xf32, #tpu.memory_space<vmem>>, vector<1x16xf32>,
      %get3A_448 = vector.shape_cast %get3A_447 : vector<1x16xf32> to vector<16xf32>
      %get3A_449 = arith.index_cast %add3A_387 : i32 to index
      %get3A_450 = arith.constant 80 : index
      %get3A_451 = tpu.vector_load %arg13[%get3A_449, %get3A_450] {strides = array<i32>} : memref<128x128xf32, #tpu.memory_space<vmem>>, vector<1x16xf32>,
      %get3A_452 = vector.shape_cast %get3A_451 : vector<1x16xf32> to vector<16xf32>
      %sub3A_453 = arith.subf %get3A_448, %get3A_452 : vector<16xf32>
      %mul3A_454 = arith.mulf %sub3A_453, %sub3A_453 : vector<16xf32>
      %add3A_455 = arith.addf %add3A_444, %mul3A_454 : vector<16xf32>
      %get3A_456 = arith.index_cast %add3A_387 : i32 to index
      %get3A_457 = arith.constant 96 : index
      %get3A_458 = tpu.vector_load %arg11[%get3A_456, %get3A_457] {strides = array<i32>} : memref<128x128xf32, #tpu.memory_space<vmem>>, vector<1x16xf32>,
      %get3A_459 = vector.shape_cast %get3A_458 : vector<1x16xf32> to vector<16xf32>
      %get3A_460 = arith.index_cast %add3A_387 : i32 to index
      %get3A_461 = arith.constant 96 : index
      %get3A_462 = tpu.vector_load %arg13[%get3A_460, %get3A_461] {strides = array<i32>} : memref<128x128xf32, #tpu.memory_space<vmem>>, vector<1x16xf32>,
      %get3A_463 = vector.shape_cast %get3A_462 : vector<1x16xf32> to vector<16xf32>
      %sub3A_464 = arith.subf %get3A_459, %get3A_463 : vector<16xf32>
      %mul3A_465 = arith.mulf %sub3A_464, %sub3A_464 : vector<16xf32>
      %add3A_466 = arith.addf %add3A_455, %mul3A_465 : vector<16xf32>
      %get3A_467 = arith.index_cast %add3A_387 : i32 to index
      %get3A_468 = arith.constant 112 : index
      %get3A_469 = tpu.vector_load %arg11[%get3A_467, %get3A_468] {strides = array<i32>} : memref<128x128xf32, #tpu.memory_space<vmem>>, vector<1x16xf32>,
      %get3A_470 = vector.shape_cast %get3A_469 : vector<1x16xf32> to vector<16xf32>
      %get3A_471 = arith.index_cast %add3A_387 : i32 to index
      %get3A_472 = arith.constant 112 : index
      %get3A_473 = tpu.vector_load %arg13[%get3A_471, %get3A_472] {strides = array<i32>} : memref<128x128xf32, #tpu.memory_space<vmem>>, vector<1x16xf32>,
      %get3A_474 = vector.shape_cast %get3A_473 : vector<1x16xf32> to vector<16xf32>
      %sub3A_475 = arith.subf %get3A_470, %get3A_474 : vector<16xf32>
      %mul3A_476 = arith.mulf %sub3A_475, %sub3A_475 : vector<16xf32>
      %add3A_477 = arith.addf %add3A_466, %mul3A_476 : vector<16xf32>
      %mul3A_478 = arith.constant 16 : i32
      %mul3A_479 = arith.muli %add3A_387, %mul3A_478 : i32
      %swap3A_480 = arith.index_cast %mul3A_479 : i32 to index
      %swap3A_481 = tpu.vector_load %arg15[%swap3A_480] {strides = array<i32>} : memref<2048xf32, #tpu.memory_space<vmem>>, vector<16xf32>,
      %swap3A_482 = vector.shape_cast %swap3A_481 : vector<16xf32> to vector<16xf32>
      %swap3A_483 = vector.shape_cast %add3A_477 : vector<16xf32> to vector<16xf32>
      tpu.vector_store %arg15[%swap3A_480], %swap3A_483 {strides = array<i32>} : memref<2048xf32, #tpu.memory_space<vmem>>, vector<16xf32>,
      %mul3A_484 = arith.constant 4 : i32
      %mul3A_485 = arith.muli %scan3A_185, %mul3A_484 : i32
      %add3A_486 = arith.constant 3 : i32
      %add3A_487 = arith.addi %mul3A_485, %add3A_486 : i32
      %broadcast_in_dim3A_488 = arith.constant 0.000000e+00 : f32
      %broadcast_in_dim3A_489 = vector.broadcast %broadcast_in_dim3A_488 : f32 to vector<16xf32>
      %get3A_490 = arith.index_cast %add3A_487 : i32 to index
      %get3A_491 = arith.constant 0 : index
      %get3A_492 = tpu.vector_load %arg11[%get3A_490, %get3A_491] {strides = array<i32>} : memref<128x128xf32, #tpu.memory_space<vmem>>, vector<1x16xf32>,
      %get3A_493 = vector.shape_cast %get3A_492 : vector<1x16xf32> to vector<16xf32>
      %get3A_494 = arith.index_cast %add3A_487 : i32 to index
      %get3A_495 = arith.constant 0 : index
      %get3A_496 = tpu.vector_load %arg13[%get3A_494, %get3A_495] {strides = array<i32>} : memref<128x128xf32, #tpu.memory_space<vmem>>, vector<1x16xf32>,
      %get3A_497 = vector.shape_cast %get3A_496 : vector<1x16xf32> to vector<16xf32>
      %sub3A_498 = arith.subf %get3A_493, %get3A_497 : vector<16xf32>
      %mul3A_499 = arith.mulf %sub3A_498, %sub3A_498 : vector<16xf32>
      %add3A_500 = arith.addf %broadcast_in_dim3A_489, %mul3A_499 : vector<16xf32>
      %get3A_501 = arith.index_cast %add3A_487 : i32 to index
      %get3A_502 = arith.constant 16 : index
      %get3A_503 = tpu.vector_load %arg11[%get3A_501, %get3A_502] {strides = array<i32>} : memref<128x128xf32, #tpu.memory_space<vmem>>, vector<1x16xf32>,
      %get3A_504 = vector.shape_cast %get3A_503 : vector<1x16xf32> to vector<16xf32>
      %get3A_505 = arith.index_cast %add3A_487 : i32 to index
      %get3A_506 = arith.constant 16 : index
      %get3A_507 = tpu.vector_load %arg13[%get3A_505, %get3A_506] {strides = array<i32>} : memref<128x128xf32, #tpu.memory_space<vmem>>, vector<1x16xf32>,
      %get3A_508 = vector.shape_cast %get3A_507 : vector<1x16xf32> to vector<16xf32>
      %sub3A_509 = arith.subf %get3A_504, %get3A_508 : vector<16xf32>
      %mul3A_510 = arith.mulf %sub3A_509, %sub3A_509 : vector<16xf32>
      %add3A_511 = arith.addf %add3A_500, %mul3A_510 : vector<16xf32>
      %get3A_512 = arith.index_cast %add3A_487 : i32 to index
      %get3A_513 = arith.constant 32 : index
      %get3A_514 = tpu.vector_load %arg11[%get3A_512, %get3A_513] {strides = array<i32>} : memref<128x128xf32, #tpu.memory_space<vmem>>, vector<1x16xf32>,
      %get3A_515 = vector.shape_cast %get3A_514 : vector<1x16xf32> to vector<16xf32>
      %get3A_516 = arith.index_cast %add3A_487 : i32 to index
      %get3A_517 = arith.constant 32 : index
      %get3A_518 = tpu.vector_load %arg13[%get3A_516, %get3A_517] {strides = array<i32>} : memref<128x128xf32, #tpu.memory_space<vmem>>, vector<1x16xf32>,
      %get3A_519 = vector.shape_cast %get3A_518 : vector<1x16xf32> to vector<16xf32>
      %sub3A_520 = arith.subf %get3A_515, %get3A_519 : vector<16xf32>
      %mul3A_521 = arith.mulf %sub3A_520, %sub3A_520 : vector<16xf32>
      %add3A_522 = arith.addf %add3A_511, %mul3A_521 : vector<16xf32>
      %get3A_523 = arith.index_cast %add3A_487 : i32 to index
      %get3A_524 = arith.constant 48 : index
      %get3A_525 = tpu.vector_load %arg11[%get3A_523, %get3A_524] {strides = array<i32>} : memref<128x128xf32, #tpu.memory_space<vmem>>, vector<1x16xf32>,
      %get3A_526 = vector.shape_cast %get3A_525 : vector<1x16xf32> to vector<16xf32>
      %get3A_527 = arith.index_cast %add3A_487 : i32 to index
      %get3A_528 = arith.constant 48 : index
      %get3A_529 = tpu.vector_load %arg13[%get3A_527, %get3A_528] {strides = array<i32>} : memref<128x128xf32, #tpu.memory_space<vmem>>, vector<1x16xf32>,
      %get3A_530 = vector.shape_cast %get3A_529 : vector<1x16xf32> to vector<16xf32>
      %sub3A_531 = arith.subf %get3A_526, %get3A_530 : vector<16xf32>
      %mul3A_532 = arith.mulf %sub3A_531, %sub3A_531 : vector<16xf32>
      %add3A_533 = arith.addf %add3A_522, %mul3A_532 : vector<16xf32>
      %get3A_534 = arith.index_cast %add3A_487 : i32 to index
      %get3A_535 = arith.constant 64 : index
      %get3A_536 = tpu.vector_load %arg11[%get3A_534, %get3A_535] {strides = array<i32>} : memref<128x128xf32, #tpu.memory_space<vmem>>, vector<1x16xf32>,
      %get3A_537 = vector.shape_cast %get3A_536 : vector<1x16xf32> to vector<16xf32>
      %get3A_538 = arith.index_cast %add3A_487 : i32 to index
      %get3A_539 = arith.constant 64 : index
      %get3A_540 = tpu.vector_load %arg13[%get3A_538, %get3A_539] {strides = array<i32>} : memref<128x128xf32, #tpu.memory_space<vmem>>, vector<1x16xf32>,
      %get3A_541 = vector.shape_cast %get3A_540 : vector<1x16xf32> to vector<16xf32>
      %sub3A_542 = arith.subf %get3A_537, %get3A_541 : vector<16xf32>
      %mul3A_543 = arith.mulf %sub3A_542, %sub3A_542 : vector<16xf32>
      %add3A_544 = arith.addf %add3A_533, %mul3A_543 : vector<16xf32>
      %get3A_545 = arith.index_cast %add3A_487 : i32 to index
      %get3A_546 = arith.constant 80 : index
      %get3A_547 = tpu.vector_load %arg11[%get3A_545, %get3A_546] {strides = array<i32>} : memref<128x128xf32, #tpu.memory_space<vmem>>, vector<1x16xf32>,
      %get3A_548 = vector.shape_cast %get3A_547 : vector<1x16xf32> to vector<16xf32>
      %get3A_549 = arith.index_cast %add3A_487 : i32 to index
      %get3A_550 = arith.constant 80 : index
      %get3A_551 = tpu.vector_load %arg13[%get3A_549, %get3A_550] {strides = array<i32>} : memref<128x128xf32, #tpu.memory_space<vmem>>, vector<1x16xf32>,
      %get3A_552 = vector.shape_cast %get3A_551 : vector<1x16xf32> to vector<16xf32>
      %sub3A_553 = arith.subf %get3A_548, %get3A_552 : vector<16xf32>
      %mul3A_554 = arith.mulf %sub3A_553, %sub3A_553 : vector<16xf32>
      %add3A_555 = arith.addf %add3A_544, %mul3A_554 : vector<16xf32>
      %get3A_556 = arith.index_cast %add3A_487 : i32 to index
      %get3A_557 = arith.constant 96 : index
      %get3A_558 = tpu.vector_load %arg11[%get3A_556, %get3A_557] {strides = array<i32>} : memref<128x128xf32, #tpu.memory_space<vmem>>, vector<1x16xf32>,
      %get3A_559 = vector.shape_cast %get3A_558 : vector<1x16xf32> to vector<16xf32>
      %get3A_560 = arith.index_cast %add3A_487 : i32 to index
      %get3A_561 = arith.constant 96 : index
      %get3A_562 = tpu.vector_load %arg13[%get3A_560, %get3A_561] {strides = array<i32>} : memref<128x128xf32, #tpu.memory_space<vmem>>, vector<1x16xf32>,
      %get3A_563 = vector.shape_cast %get3A_562 : vector<1x16xf32> to vector<16xf32>
      %sub3A_564 = arith.subf %get3A_559, %get3A_563 : vector<16xf32>
      %mul3A_565 = arith.mulf %sub3A_564, %sub3A_564 : vector<16xf32>
      %add3A_566 = arith.addf %add3A_555, %mul3A_565 : vector<16xf32>
      %get3A_567 = arith.index_cast %add3A_487 : i32 to index
      %get3A_568 = arith.constant 112 : index
      %get3A_569 = tpu.vector_load %arg11[%get3A_567, %get3A_568] {strides = array<i32>} : memref<128x128xf32, #tpu.memory_space<vmem>>, vector<1x16xf32>,
      %get3A_570 = vector.shape_cast %get3A_569 : vector<1x16xf32> to vector<16xf32>
      %get3A_571 = arith.index_cast %add3A_487 : i32 to index
      %get3A_572 = arith.constant 112 : index
      %get3A_573 = tpu.vector_load %arg13[%get3A_571, %get3A_572] {strides = array<i32>} : memref<128x128xf32, #tpu.memory_space<vmem>>, vector<1x16xf32>,
      %get3A_574 = vector.shape_cast %get3A_573 : vector<1x16xf32> to vector<16xf32>
      %sub3A_575 = arith.subf %get3A_570, %get3A_574 : vector<16xf32>
      %mul3A_576 = arith.mulf %sub3A_575, %sub3A_575 : vector<16xf32>
      %add3A_577 = arith.addf %add3A_566, %mul3A_576 : vector<16xf32>
      %mul3A_578 = arith.constant 16 : i32
      %mul3A_579 = arith.muli %add3A_487, %mul3A_578 : i32
      %swap3A_580 = arith.index_cast %mul3A_579 : i32 to index
      %swap3A_581 = tpu.vector_load %arg15[%swap3A_580] {strides = array<i32>} : memref<2048xf32, #tpu.memory_space<vmem>>, vector<16xf32>,
      %swap3A_582 = vector.shape_cast %swap3A_581 : vector<16xf32> to vector<16xf32>
      %swap3A_583 = vector.shape_cast %add3A_577 : vector<16xf32> to vector<16xf32>
      tpu.vector_store %arg15[%swap3A_580], %swap3A_583 {strides = array<i32>} : memref<2048xf32, #tpu.memory_space<vmem>>, vector<16xf32>,
    }
    %scan3A_180 = arith.constant 32 : i32
    %mul3A_181 = arith.constant 16 : i32
    %mul3A_182 = arith.muli %mul3A_2, %mul3A_181 : i32
    "tpu.region"() ({
      %run_scoped3A = tpu.sem_alloc : memref<!tpu.dma_semaphore, #tpu.memory_space<semaphore_mem>>
      %dma_start3A_185 = tpu.memref_slice %arg6[%mul3A_182] : memref<65536xf32, #tpu.memory_space<hbm>> -> memref<2048xf32, #tpu.memory_space<hbm>>
      %dma_start3A_186 = tpu.memref_slice %arg6[%mul3A_182] : memref<65536xf32, #tpu.memory_space<hbm>> -> memref<2048xf32, #tpu.memory_space<hbm>>
      tpu.enqueue_dma source(%arg14 : memref<2048xf32, #tpu.memory_space<vmem>>) target(%dma_start3A_186 : memref<2048xf32, #tpu.memory_space<hbm>>) target_semaphore(%run_scoped3A : memref<!tpu.dma_semaphore, #tpu.memory_space<semaphore_mem>>)
      %dma_wait3A_187 = tpu.memref_slice %arg6[%mul3A_182] : memref<65536xf32, #tpu.memory_space<hbm>> -> memref<2048xf32, #tpu.memory_space<hbm>>
      %dma_wait3A_188 = tpu.memref_slice %arg6[%mul3A_182] : memref<65536xf32, #tpu.memory_space<hbm>> -> memref<2048xf32, #tpu.memory_space<hbm>>
      tpu.wait_dma2 semaphore(%run_scoped3A : memref<!tpu.dma_semaphore, #tpu.memory_space<semaphore_mem>>) src(%arg14 : memref<2048xf32, #tpu.memory_space<vmem>>) dst(%dma_wait3A_188 : memref<2048xf32, #tpu.memory_space<hbm>>)
      tpu.yield
    }) : () -> ()
    %mul3A_183 = arith.constant 16 : i32
    %mul3A_184 = arith.muli %mul3A_2, %mul3A_183 : i32
    "tpu.region"() ({
      %run_scoped3A = tpu.sem_alloc : memref<!tpu.dma_semaphore, #tpu.memory_space<semaphore_mem>>
      %dma_start3A_185 = tpu.memref_slice %arg7[%mul3A_184] : memref<65536xf32, #tpu.memory_space<hbm>> -> memref<2048xf32, #tpu.memory_space<hbm>>
      %dma_start3A_186 = tpu.memref_slice %arg7[%mul3A_184] : memref<65536xf32, #tpu.memory_space<hbm>> -> memref<2048xf32, #tpu.memory_space<hbm>>
      tpu.enqueue_dma source(%arg15 : memref<2048xf32, #tpu.memory_space<vmem>>) target(%dma_start3A_186 : memref<2048xf32, #tpu.memory_space<hbm>>) target_semaphore(%run_scoped3A : memref<!tpu.dma_semaphore, #tpu.memory_space<semaphore_mem>>)
      %dma_wait3A_187 = tpu.memref_slice %arg7[%mul3A_184] : memref<65536xf32, #tpu.memory_space<hbm>> -> memref<2048xf32, #tpu.memory_space<hbm>>
      %dma_wait3A_188 = tpu.memref_slice %arg7[%mul3A_184] : memref<65536xf32, #tpu.memory_space<hbm>> -> memref<2048xf32, #tpu.memory_space<hbm>>
      tpu.wait_dma2 semaphore(%run_scoped3A : memref<!tpu.dma_semaphore, #tpu.memory_space<semaphore_mem>>) src(%arg15 : memref<2048xf32, #tpu.memory_space<vmem>>) dst(%dma_wait3A_188 : memref<2048xf32, #tpu.memory_space<hbm>>)
      tpu.yield
    }) : () -> ()
    return
  }
}

module attributes {stable_mosaic.version = 14 : i64} {
  func.func @_dist_stats_body(%arg0: i32, %arg1: i32, %arg2: memref<1024x130xbf16, #tpu.memory_space<vmem>>, %arg3: memref<4096x130xbf16, #tpu.memory_space<vmem>>, %arg4: memref<1x4096xi32, #tpu.memory_space<vmem>>, %arg5: memref<1024x1xi32, #tpu.memory_space<vmem>>, %arg6: memref<4096x1xf32, #tpu.memory_space<vmem>>, %arg7: memref<4096x1xf32, #tpu.memory_space<vmem>>, %arg8: memref<1x4096xf32, #tpu.memory_space<vmem>>, %arg9: memref<1x4096xf32, #tpu.memory_space<vmem>>) attributes {dimension_semantics = [#tpu.dimension_semantics<arbitrary>, #tpu.dimension_semantics<arbitrary>], iteration_bounds = array<i64: 4, 1>, scalar_prefetch = 0 : i64, scratch_operands = 0 : i64, tpu.core_type = #tpu.core_type<tc>, window_params = [{transform_indices = @transform_0, window_bounds = array<i64: 1024, 130>}, {transform_indices = @transform_1, window_bounds = array<i64: 4096, 130>}, {transform_indices = @transform_2, window_bounds = array<i64: 1, 4096>}, {transform_indices = @transform_3, window_bounds = array<i64: 1024, 1>}, {pipeline_mode = #tpu.pipeline_mode<synchronous>, transform_indices = @transform_4, window_bounds = array<i64: 4096, 1>}, {pipeline_mode = #tpu.pipeline_mode<synchronous>, transform_indices = @transform_5, window_bounds = array<i64: 4096, 1>}, {pipeline_mode = #tpu.pipeline_mode<synchronous>, transform_indices = @transform_6, window_bounds = array<i64: 1, 4096>}, {pipeline_mode = #tpu.pipeline_mode<synchronous>, transform_indices = @transform_7, window_bounds = array<i64: 1, 4096>}]} {
    %get3A = arith.constant 0 : index
    %get3A_0 = arith.constant 0 : index
    %get3A_1 = vector.load %arg2[%get3A, %get3A_0] : memref<1024x130xbf16, #tpu.memory_space<vmem>>, vector<1024x130xbf16>
    %get3A_2 = arith.constant 0 : index
    %get3A_3 = arith.constant 0 : index
    %get3A_4 = vector.load %arg3[%get3A_2, %get3A_3] : memref<4096x130xbf16, #tpu.memory_space<vmem>>, vector<4096x130xbf16>
    %dot_general3A = arith.constant dense<0.000000e+00> : vector<1024x4096xf32>
    %dot_general3A_5 = tpu.matmul %get3A_1, %get3A_4, %dot_general3A {dimension_numbers = #tpu.dot_dimension_numbers<[1], [1], [0], [0], [0, 0, 1, 0], [], []>, transpose_lhs_hint = false} : vector<1024x130xbf16>, vector<4096x130xbf16>, vector<1024x4096xf32> -> vector<1024x4096xf32>
    %max3A = arith.constant 9.99999991E-38 : f32
    %max3A_6 = vector.broadcast %max3A : f32 to vector<1024x4096xf32>
    %max3A_7 = arith.maximumf %dot_general3A_5, %max3A_6 : vector<1024x4096xf32>
    %rsqrt3A = math.rsqrt %max3A_7 : vector<1024x4096xf32>
    %mul3A = arith.mulf %max3A_7, %rsqrt3A : vector<1024x4096xf32>
    %bitcast_convert_type3A = tpu.bitcast %max3A_7 : vector<1024x4096xf32> -> vector<1024x4096xi32>
    %and3A = arith.constant -4096 : i32
    %and3A_8 = vector.broadcast %and3A : i32 to vector<1024x4096xi32>
    %and3A_9 = arith.andi %bitcast_convert_type3A, %and3A_8 : vector<1024x4096xi32>
    %get3A_10 = arith.constant 0 : index
    %get3A_11 = arith.constant 0 : index
    %get3A_12 = vector.load %arg4[%get3A_10, %get3A_11] : memref<1x4096xi32, #tpu.memory_space<vmem>>, vector<1x4096xi32>
    %or3A = vector.broadcast %get3A_12 : vector<1x4096xi32> to vector<1024x4096xi32>
    %or3A_13 = arith.ori %and3A_9, %or3A : vector<1024x4096xi32>
    %bitcast_convert_type3A_14 = tpu.bitcast %or3A_13 : vector<1024x4096xi32> -> vector<1024x4096xf32>
    %get3A_15 = arith.constant 0 : index
    %get3A_16 = arith.constant 0 : index
    %get3A_17 = vector.load %arg5[%get3A_15, %get3A_16] : memref<1024x1xi32, #tpu.memory_space<vmem>>, vector<1024x1xi32>
    %or3A_18 = vector.broadcast %get3A_17 : vector<1024x1xi32> to vector<1024x4096xi32>
    %or3A_19 = arith.ori %and3A_9, %or3A_18 : vector<1024x4096xi32>
    %bitcast_convert_type3A_20 = tpu.bitcast %or3A_19 : vector<1024x4096xi32> -> vector<1024x4096xf32>
    %reduce_min3A = arith.constant dense<0x7F800000> : vector<1024xf32>
    %reduce_min3A_21 = vector.multi_reduction <minimumf>, %bitcast_convert_type3A_14, %reduce_min3A [1] : vector<1024x4096xf32> to vector<1024xf32>
    %broadcast_in_dim3A = vector.shape_cast %reduce_min3A_21 : vector<1024xf32> to vector<1024x1xf32>
    %reduce_min3A_22 = arith.constant dense<0x7F800000> : vector<4096xf32>
    %reduce_min3A_23 = vector.multi_reduction <minimumf>, %bitcast_convert_type3A_20, %reduce_min3A_22 [0] : vector<1024x4096xf32> to vector<4096xf32>
    %broadcast_in_dim3A_24 = vector.shape_cast %reduce_min3A_23 : vector<4096xf32> to vector<1x4096xf32>
    %reduce_sum3A = arith.constant dense<0.000000e+00> : vector<1024xf32>
    %reduce_sum3A_25 = vector.multi_reduction <add>, %mul3A, %reduce_sum3A [1] : vector<1024x4096xf32> to vector<1024xf32>
    %broadcast_in_dim3A_26 = vector.shape_cast %reduce_sum3A_25 : vector<1024xf32> to vector<1024x1xf32>
    %reduce_sum3A_27 = arith.constant dense<0.000000e+00> : vector<4096xf32>
    %reduce_sum3A_28 = vector.multi_reduction <add>, %mul3A, %reduce_sum3A_27 [0] : vector<1024x4096xf32> to vector<4096xf32>
    %broadcast_in_dim3A_29 = vector.shape_cast %reduce_sum3A_28 : vector<4096xf32> to vector<1x4096xf32>
    %mul3A_30 = arith.constant 1024 : i32
    %mul3A_31 = arith.muli %arg0, %mul3A_30 : i32
    %mul3A_32 = arith.constant 4096 : i32
    %mul3A_33 = arith.muli %arg1, %mul3A_32 : i32
    %eq3A = arith.constant 0 : i32
    %eq3A_34 = arith.cmpi eq, %arg1, %eq3A : i32
    %convert_element_type3A = arith.extui %eq3A_34 : i1 to i32
    %cond3A = arith.constant 0 : i32
    %cond3A_35 = arith.cmpi ne, %convert_element_type3A, %cond3A : i32
    scf.if %cond3A_35 {
      %swap3A = arith.index_cast %mul3A_31 : i32 to index
      %swap3A_50 = arith.constant 0 : index
      %swap3A_51 = vector.load %arg6[%swap3A, %swap3A_50] : memref<4096x1xf32, #tpu.memory_space<vmem>>, vector<1024x1xf32>
      tpu.vector_store %arg6[%swap3A, %swap3A_50], %broadcast_in_dim3A {strides = array<i32>} : memref<4096x1xf32, #tpu.memory_space<vmem>>, vector<1024x1xf32>,
      %swap3A_52 = arith.index_cast %mul3A_31 : i32 to index
      %swap3A_53 = arith.constant 0 : index
      %swap3A_54 = vector.load %arg7[%swap3A_52, %swap3A_53] : memref<4096x1xf32, #tpu.memory_space<vmem>>, vector<1024x1xf32>
      tpu.vector_store %arg7[%swap3A_52, %swap3A_53], %broadcast_in_dim3A_26 {strides = array<i32>} : memref<4096x1xf32, #tpu.memory_space<vmem>>, vector<1024x1xf32>,
    } else {
    }
    %ne3A = arith.constant 0 : i32
    %ne3A_36 = arith.cmpi ne, %arg1, %ne3A : i32
    %convert_element_type3A_37 = arith.extui %ne3A_36 : i1 to i32
    %cond3A_38 = arith.constant 0 : i32
    %cond3A_39 = arith.cmpi ne, %convert_element_type3A_37, %cond3A_38 : i32
    scf.if %cond3A_39 {
      %get3A_50 = arith.index_cast %mul3A_31 : i32 to index
      %get3A_51 = arith.constant 0 : index
      %get3A_52 = vector.load %arg6[%get3A_50, %get3A_51] : memref<4096x1xf32, #tpu.memory_space<vmem>>, vector<1024x1xf32>
      %min3A = arith.minimumf %broadcast_in_dim3A, %get3A_52 : vector<1024x1xf32>
      %swap3A = arith.index_cast %mul3A_31 : i32 to index
      %swap3A_53 = arith.constant 0 : index
      %swap3A_54 = vector.load %arg6[%swap3A, %swap3A_53] : memref<4096x1xf32, #tpu.memory_space<vmem>>, vector<1024x1xf32>
      tpu.vector_store %arg6[%swap3A, %swap3A_53], %min3A {strides = array<i32>} : memref<4096x1xf32, #tpu.memory_space<vmem>>, vector<1024x1xf32>,
      %get3A_55 = arith.index_cast %mul3A_31 : i32 to index
      %get3A_56 = arith.constant 0 : index
      %get3A_57 = vector.load %arg7[%get3A_55, %get3A_56] : memref<4096x1xf32, #tpu.memory_space<vmem>>, vector<1024x1xf32>
      %add3A = arith.addf %get3A_57, %broadcast_in_dim3A_26 : vector<1024x1xf32>
      %swap3A_58 = arith.index_cast %mul3A_31 : i32 to index
      %swap3A_59 = arith.constant 0 : index
      %swap3A_60 = vector.load %arg7[%swap3A_58, %swap3A_59] : memref<4096x1xf32, #tpu.memory_space<vmem>>, vector<1024x1xf32>
      tpu.vector_store %arg7[%swap3A_58, %swap3A_59], %add3A {strides = array<i32>} : memref<4096x1xf32, #tpu.memory_space<vmem>>, vector<1024x1xf32>,
    } else {
    }
    %eq3A_40 = arith.constant 0 : i32
    %eq3A_41 = arith.cmpi eq, %arg0, %eq3A_40 : i32
    %convert_element_type3A_42 = arith.extui %eq3A_41 : i1 to i32
    %cond3A_43 = arith.constant 0 : i32
    %cond3A_44 = arith.cmpi ne, %convert_element_type3A_42, %cond3A_43 : i32
    scf.if %cond3A_44 {
      %swap3A = arith.constant 0 : index
      %swap3A_50 = arith.index_cast %mul3A_33 : i32 to index
      %swap3A_51 = vector.load %arg8[%swap3A, %swap3A_50] : memref<1x4096xf32, #tpu.memory_space<vmem>>, vector<1x4096xf32>
      tpu.vector_store %arg8[%swap3A, %swap3A_50], %broadcast_in_dim3A_24 {strides = array<i32>} : memref<1x4096xf32, #tpu.memory_space<vmem>>, vector<1x4096xf32>,
      %swap3A_52 = arith.constant 0 : index
      %swap3A_53 = arith.index_cast %mul3A_33 : i32 to index
      %swap3A_54 = vector.load %arg9[%swap3A_52, %swap3A_53] : memref<1x4096xf32, #tpu.memory_space<vmem>>, vector<1x4096xf32>
      tpu.vector_store %arg9[%swap3A_52, %swap3A_53], %broadcast_in_dim3A_29 {strides = array<i32>} : memref<1x4096xf32, #tpu.memory_space<vmem>>, vector<1x4096xf32>,
    } else {
    }
    %ne3A_45 = arith.constant 0 : i32
    %ne3A_46 = arith.cmpi ne, %arg0, %ne3A_45 : i32
    %convert_element_type3A_47 = arith.extui %ne3A_46 : i1 to i32
    %cond3A_48 = arith.constant 0 : i32
    %cond3A_49 = arith.cmpi ne, %convert_element_type3A_47, %cond3A_48 : i32
    scf.if %cond3A_49 {
      %get3A_50 = arith.constant 0 : index
      %get3A_51 = arith.index_cast %mul3A_33 : i32 to index
      %get3A_52 = vector.load %arg8[%get3A_50, %get3A_51] : memref<1x4096xf32, #tpu.memory_space<vmem>>, vector<1x4096xf32>
      %min3A = arith.minimumf %broadcast_in_dim3A_24, %get3A_52 : vector<1x4096xf32>
      %swap3A = arith.constant 0 : index
      %swap3A_53 = arith.index_cast %mul3A_33 : i32 to index
      %swap3A_54 = vector.load %arg8[%swap3A, %swap3A_53] : memref<1x4096xf32, #tpu.memory_space<vmem>>, vector<1x4096xf32>
      tpu.vector_store %arg8[%swap3A, %swap3A_53], %min3A {strides = array<i32>} : memref<1x4096xf32, #tpu.memory_space<vmem>>, vector<1x4096xf32>,
      %get3A_55 = arith.constant 0 : index
      %get3A_56 = arith.index_cast %mul3A_33 : i32 to index
      %get3A_57 = vector.load %arg9[%get3A_55, %get3A_56] : memref<1x4096xf32, #tpu.memory_space<vmem>>, vector<1x4096xf32>
      %add3A = arith.addf %get3A_57, %broadcast_in_dim3A_29 : vector<1x4096xf32>
      %swap3A_58 = arith.constant 0 : index
      %swap3A_59 = arith.index_cast %mul3A_33 : i32 to index
      %swap3A_60 = vector.load %arg9[%swap3A_58, %swap3A_59] : memref<1x4096xf32, #tpu.memory_space<vmem>>, vector<1x4096xf32>
      tpu.vector_store %arg9[%swap3A_58, %swap3A_59], %add3A {strides = array<i32>} : memref<1x4096xf32, #tpu.memory_space<vmem>>, vector<1x4096xf32>,
    } else {
    }
    return
  }
  func.func @transform_0(%arg0: i32, %arg1: i32) -> (i32, i32) {
    %c0_i32 = arith.constant 0 : i32
    %c0_i32_0 = arith.constant 0 : i32
    return %arg0, %c0_i32 : i32, i32
  }
  func.func @transform_1(%arg0: i32, %arg1: i32) -> (i32, i32) {
    %c0_i32 = arith.constant 0 : i32
    %c0_i32_0 = arith.constant 0 : i32
    return %arg1, %c0_i32 : i32, i32
  }
  func.func @transform_2(%arg0: i32, %arg1: i32) -> (i32, i32) {
    %c0_i32 = arith.constant 0 : i32
    %c0_i32_0 = arith.constant 0 : i32
    return %c0_i32, %arg1 : i32, i32
  }
  func.func @transform_3(%arg0: i32, %arg1: i32) -> (i32, i32) {
    %c0_i32 = arith.constant 0 : i32
    %c0_i32_0 = arith.constant 0 : i32
    return %arg0, %c0_i32 : i32, i32
  }
  func.func @transform_4(%arg0: i32, %arg1: i32) -> (i32, i32) {
    %c0_i32 = arith.constant 0 : i32
    %c0_i32_0 = arith.constant 0 : i32
    %c0_i32_1 = arith.constant 0 : i32
    return %c0_i32, %c0_i32_0 : i32, i32
  }
  func.func @transform_5(%arg0: i32, %arg1: i32) -> (i32, i32) {
    %c0_i32 = arith.constant 0 : i32
    %c0_i32_0 = arith.constant 0 : i32
    %c0_i32_1 = arith.constant 0 : i32
    return %c0_i32, %c0_i32_0 : i32, i32
  }
  func.func @transform_6(%arg0: i32, %arg1: i32) -> (i32, i32) {
    %c0_i32 = arith.constant 0 : i32
    %c0_i32_0 = arith.constant 0 : i32
    %c0_i32_1 = arith.constant 0 : i32
    return %c0_i32, %c0_i32_0 : i32, i32
  }
  func.func @transform_7(%arg0: i32, %arg1: i32) -> (i32, i32) {
    %c0_i32 = arith.constant 0 : i32
    %c0_i32_0 = arith.constant 0 : i32
    %c0_i32_1 = arith.constant 0 : i32
    return %c0_i32, %c0_i32_0 : i32, i32
  }
}

module attributes {stable_mosaic.version = 14 : i64} {
  func.func @_combine_body(%arg0: memref<32x128xf32, #tpu.memory_space<vmem>>, %arg1: memref<32x128xf32, #tpu.memory_space<vmem>>, %arg2: memref<512x128xf32, #tpu.memory_space<vmem>>, %arg3: memref<32x128xf32, #tpu.memory_space<vmem>>, %arg4: memref<32x128xf32, #tpu.memory_space<vmem>>, %arg5: memref<512x128xf32, #tpu.memory_space<vmem>>, %arg6: memref<1x128xf32, #tpu.memory_space<vmem>>, %arg7: memref<1x1xf32, #tpu.memory_space<smem>>) attributes {dimension_semantics = [], scalar_prefetch = 0 : i64, scratch_operands = 0 : i64, tpu.core_type = #tpu.core_type<tc>} {
    %get3A = arith.constant 0 : index
    %get3A_0 = arith.constant 0 : index
    %get3A_1 = vector.load %arg0[%get3A, %get3A_0] : memref<32x128xf32, #tpu.memory_space<vmem>>, vector<32x128xf32>
    %bitcast_convert_type3A = tpu.bitcast %get3A_1 : vector<32x128xf32> -> vector<32x128xi32>
    %and3A = arith.constant -4096 : i32
    %and3A_2 = vector.broadcast %and3A : i32 to vector<32x128xi32>
    %and3A_3 = arith.andi %bitcast_convert_type3A, %and3A_2 : vector<32x128xi32>
    %bitcast_convert_type3A_4 = tpu.bitcast %and3A_3 : vector<32x128xi32> -> vector<32x128xf32>
    %get3A_5 = arith.constant 0 : index
    %get3A_6 = arith.constant 0 : index
    %get3A_7 = vector.load %arg3[%get3A_5, %get3A_6] : memref<32x128xf32, #tpu.memory_space<vmem>>, vector<32x128xf32>
    %bitcast_convert_type3A_8 = tpu.bitcast %get3A_7 : vector<32x128xf32> -> vector<32x128xi32>
    %and3A_9 = arith.constant -4096 : i32
    %and3A_10 = vector.broadcast %and3A_9 : i32 to vector<32x128xi32>
    %and3A_11 = arith.andi %bitcast_convert_type3A_8, %and3A_10 : vector<32x128xi32>
    %bitcast_convert_type3A_12 = tpu.bitcast %and3A_11 : vector<32x128xi32> -> vector<32x128xf32>
    %get3A_13 = arith.constant 0 : index
    %get3A_14 = arith.constant 0 : index
    %get3A_15 = vector.load %arg1[%get3A_13, %get3A_14] : memref<32x128xf32, #tpu.memory_space<vmem>>, vector<32x128xf32>
    %reduce_sum3A = vector.shape_cast %get3A_15 : vector<32x128xf32> to vector<1x32x128xf32>
    %reduce_sum3A_16 = arith.constant dense<0.000000e+00> : vector<1xf32>
    %reduce_sum3A_17 = vector.multi_reduction <add>, %reduce_sum3A, %reduce_sum3A_16 [1, 2] : vector<1x32x128xf32> to vector<1xf32>
    %reduce_sum3A_18 = vector.shape_cast %reduce_sum3A_17 : vector<1xf32> to vector<1x1x1xf32>
    %reduce_sum3A_19 = vector.extract %reduce_sum3A_18[0, 0, 0] : f32 from vector<1x1x1xf32>
    %max3A = arith.constant 9.99999991E-38 : f32
    %max3A_20 = vector.broadcast %max3A : f32 to vector<32x128xf32>
    %max3A_21 = arith.maximumf %bitcast_convert_type3A_4, %max3A_20 : vector<32x128xf32>
    %rsqrt3A = math.rsqrt %max3A_21 : vector<32x128xf32>
    %mul3A = arith.mulf %max3A_21, %rsqrt3A : vector<32x128xf32>
    %reduce_sum3A_22 = vector.shape_cast %mul3A : vector<32x128xf32> to vector<1x32x128xf32>
    %reduce_sum3A_23 = arith.constant dense<0.000000e+00> : vector<1xf32>
    %reduce_sum3A_24 = vector.multi_reduction <add>, %reduce_sum3A_22, %reduce_sum3A_23 [1, 2] : vector<1x32x128xf32> to vector<1xf32>
    %reduce_sum3A_25 = vector.shape_cast %reduce_sum3A_24 : vector<1xf32> to vector<1x1x1xf32>
    %reduce_sum3A_26 = vector.extract %reduce_sum3A_25[0, 0, 0] : f32 from vector<1x1x1xf32>
    %sub3A = arith.subf %reduce_sum3A_19, %reduce_sum3A_26 : f32
    %sub3A_27 = arith.constant 4.096000e+03 : f32
    %sub3A_28 = arith.constant 1.000000e+00 : f32
    %sub3A_29 = arith.subf %sub3A_27, %sub3A_28 : f32
    %mul3A_30 = arith.constant 4.096000e+03 : f32
    %mul3A_31 = arith.constant 1.000000e+00 : f32
    %mul3A_32 = arith.mulf %mul3A_30, %mul3A_31 : f32
    %get3A_33 = arith.constant 0 : index
    %get3A_34 = arith.constant 0 : index
    %get3A_35 = vector.load %arg2[%get3A_33, %get3A_34] : memref<512x128xf32, #tpu.memory_space<vmem>>, vector<512x128xf32>
    %roll3A = arith.constant 127 : i32
    %roll3A_36 = tpu.dynamic_rotate %get3A_35 by %roll3A dim 1 : vector<512x128xf32>, i32 -> vector<512x128xf32>
    %add3A = arith.addf %get3A_35, %roll3A_36 : vector<512x128xf32>
    %roll3A_37 = arith.constant 126 : i32
    %roll3A_38 = tpu.dynamic_rotate %add3A by %roll3A_37 dim 1 : vector<512x128xf32>, i32 -> vector<512x128xf32>
    %add3A_39 = arith.addf %add3A, %roll3A_38 : vector<512x128xf32>
    %roll3A_40 = arith.constant 124 : i32
    %roll3A_41 = tpu.dynamic_rotate %add3A_39 by %roll3A_40 dim 1 : vector<512x128xf32>, i32 -> vector<512x128xf32>
    %add3A_42 = arith.addf %add3A_39, %roll3A_41 : vector<512x128xf32>
    %roll3A_43 = arith.constant 120 : i32
    %roll3A_44 = tpu.dynamic_rotate %add3A_42 by %roll3A_43 dim 1 : vector<512x128xf32>, i32 -> vector<512x128xf32>
    %add3A_45 = arith.addf %add3A_42, %roll3A_44 : vector<512x128xf32>
    %max3A_46 = arith.constant 9.99999991E-38 : f32
    %max3A_47 = vector.broadcast %max3A_46 : f32 to vector<512x128xf32>
    %max3A_48 = arith.maximumf %add3A_45, %max3A_47 : vector<512x128xf32>
    %rsqrt3A_49 = math.rsqrt %max3A_48 : vector<512x128xf32>
    %mul3A_50 = arith.mulf %max3A_48, %rsqrt3A_49 : vector<512x128xf32>
    %get3A_51 = arith.constant 0 : index
    %get3A_52 = arith.constant 0 : index
    %get3A_53 = vector.load %arg6[%get3A_51, %get3A_52] : memref<1x128xf32, #tpu.memory_space<vmem>>, vector<1x128xf32>
    %mul3A_54 = vector.broadcast %get3A_53 : vector<1x128xf32> to vector<512x128xf32>
    %mul3A_55 = arith.mulf %mul3A_50, %mul3A_54 : vector<512x128xf32>
    %reduce_sum3A_56 = vector.shape_cast %mul3A_55 : vector<512x128xf32> to vector<1x512x128xf32>
    %reduce_sum3A_57 = arith.constant dense<0.000000e+00> : vector<1xf32>
    %reduce_sum3A_58 = vector.multi_reduction <add>, %reduce_sum3A_56, %reduce_sum3A_57 [1, 2] : vector<1x512x128xf32> to vector<1xf32>
    %reduce_sum3A_59 = vector.shape_cast %reduce_sum3A_58 : vector<1xf32> to vector<1x1x1xf32>
    %reduce_sum3A_60 = vector.extract %reduce_sum3A_59[0, 0, 0] : f32 from vector<1x1x1xf32>
    %sub3A_61 = arith.subf %mul3A_32, %reduce_sum3A_60 : f32
    %mul3A_62 = arith.mulf %sub3A_29, %sub3A_61 : f32
    %add3A_63 = arith.addf %sub3A, %mul3A_62 : f32
    %mul3A_64 = arith.constant 4.096000e+03 : f32
    %mul3A_65 = arith.constant 0x7F800000 : f32
    %mul3A_66 = arith.mulf %mul3A_64, %mul3A_65 : f32
    %add3A_67 = arith.addf %add3A_63, %mul3A_66 : f32
    %get3A_68 = arith.constant 0 : index
    %get3A_69 = arith.constant 0 : index
    %get3A_70 = vector.load %arg4[%get3A_68, %get3A_69] : memref<32x128xf32, #tpu.memory_space<vmem>>, vector<32x128xf32>
    %reduce_sum3A_71 = vector.shape_cast %get3A_70 : vector<32x128xf32> to vector<1x32x128xf32>
    %reduce_sum3A_72 = arith.constant dense<0.000000e+00> : vector<1xf32>
    %reduce_sum3A_73 = vector.multi_reduction <add>, %reduce_sum3A_71, %reduce_sum3A_72 [1, 2] : vector<1x32x128xf32> to vector<1xf32>
    %reduce_sum3A_74 = vector.shape_cast %reduce_sum3A_73 : vector<1xf32> to vector<1x1x1xf32>
    %reduce_sum3A_75 = vector.extract %reduce_sum3A_74[0, 0, 0] : f32 from vector<1x1x1xf32>
    %max3A_76 = arith.constant 9.99999991E-38 : f32
    %max3A_77 = vector.broadcast %max3A_76 : f32 to vector<32x128xf32>
    %max3A_78 = arith.maximumf %bitcast_convert_type3A_12, %max3A_77 : vector<32x128xf32>
    %rsqrt3A_79 = math.rsqrt %max3A_78 : vector<32x128xf32>
    %mul3A_80 = arith.mulf %max3A_78, %rsqrt3A_79 : vector<32x128xf32>
    %reduce_sum3A_81 = vector.shape_cast %mul3A_80 : vector<32x128xf32> to vector<1x32x128xf32>
    %reduce_sum3A_82 = arith.constant dense<0.000000e+00> : vector<1xf32>
    %reduce_sum3A_83 = vector.multi_reduction <add>, %reduce_sum3A_81, %reduce_sum3A_82 [1, 2] : vector<1x32x128xf32> to vector<1xf32>
    %reduce_sum3A_84 = vector.shape_cast %reduce_sum3A_83 : vector<1xf32> to vector<1x1x1xf32>
    %reduce_sum3A_85 = vector.extract %reduce_sum3A_84[0, 0, 0] : f32 from vector<1x1x1xf32>
    %sub3A_86 = arith.subf %reduce_sum3A_75, %reduce_sum3A_85 : f32
    %sub3A_87 = arith.constant 4.096000e+03 : f32
    %sub3A_88 = arith.constant 1.000000e+00 : f32
    %sub3A_89 = arith.subf %sub3A_87, %sub3A_88 : f32
    %mul3A_90 = arith.constant 4.096000e+03 : f32
    %mul3A_91 = arith.constant 1.000000e+00 : f32
    %mul3A_92 = arith.mulf %mul3A_90, %mul3A_91 : f32
    %get3A_93 = arith.constant 0 : index
    %get3A_94 = arith.constant 0 : index
    %get3A_95 = vector.load %arg5[%get3A_93, %get3A_94] : memref<512x128xf32, #tpu.memory_space<vmem>>, vector<512x128xf32>
    %roll3A_96 = arith.constant 127 : i32
    %roll3A_97 = tpu.dynamic_rotate %get3A_95 by %roll3A_96 dim 1 : vector<512x128xf32>, i32 -> vector<512x128xf32>
    %add3A_98 = arith.addf %get3A_95, %roll3A_97 : vector<512x128xf32>
    %roll3A_99 = arith.constant 126 : i32
    %roll3A_100 = tpu.dynamic_rotate %add3A_98 by %roll3A_99 dim 1 : vector<512x128xf32>, i32 -> vector<512x128xf32>
    %add3A_101 = arith.addf %add3A_98, %roll3A_100 : vector<512x128xf32>
    %roll3A_102 = arith.constant 124 : i32
    %roll3A_103 = tpu.dynamic_rotate %add3A_101 by %roll3A_102 dim 1 : vector<512x128xf32>, i32 -> vector<512x128xf32>
    %add3A_104 = arith.addf %add3A_101, %roll3A_103 : vector<512x128xf32>
    %roll3A_105 = arith.constant 120 : i32
    %roll3A_106 = tpu.dynamic_rotate %add3A_104 by %roll3A_105 dim 1 : vector<512x128xf32>, i32 -> vector<512x128xf32>
    %add3A_107 = arith.addf %add3A_104, %roll3A_106 : vector<512x128xf32>
    %max3A_108 = arith.constant 9.99999991E-38 : f32
    %max3A_109 = vector.broadcast %max3A_108 : f32 to vector<512x128xf32>
    %max3A_110 = arith.maximumf %add3A_107, %max3A_109 : vector<512x128xf32>
    %rsqrt3A_111 = math.rsqrt %max3A_110 : vector<512x128xf32>
    %mul3A_112 = arith.mulf %max3A_110, %rsqrt3A_111 : vector<512x128xf32>
    %get3A_113 = arith.constant 0 : index
    %get3A_114 = arith.constant 0 : index
    %get3A_115 = vector.load %arg6[%get3A_113, %get3A_114] : memref<1x128xf32, #tpu.memory_space<vmem>>, vector<1x128xf32>
    %mul3A_116 = vector.broadcast %get3A_115 : vector<1x128xf32> to vector<512x128xf32>
    %mul3A_117 = arith.mulf %mul3A_112, %mul3A_116 : vector<512x128xf32>
    %reduce_sum3A_118 = vector.shape_cast %mul3A_117 : vector<512x128xf32> to vector<1x512x128xf32>
    %reduce_sum3A_119 = arith.constant dense<0.000000e+00> : vector<1xf32>
    %reduce_sum3A_120 = vector.multi_reduction <add>, %reduce_sum3A_118, %reduce_sum3A_119 [1, 2] : vector<1x512x128xf32> to vector<1xf32>
    %reduce_sum3A_121 = vector.shape_cast %reduce_sum3A_120 : vector<1xf32> to vector<1x1x1xf32>
    %reduce_sum3A_122 = vector.extract %reduce_sum3A_121[0, 0, 0] : f32 from vector<1x1x1xf32>
    %sub3A_123 = arith.subf %mul3A_92, %reduce_sum3A_122 : f32
    %mul3A_124 = arith.mulf %sub3A_89, %sub3A_123 : f32
    %add3A_125 = arith.addf %sub3A_86, %mul3A_124 : f32
    %mul3A_126 = arith.constant 4.096000e+03 : f32
    %mul3A_127 = arith.constant 0x7F800000 : f32
    %mul3A_128 = arith.mulf %mul3A_126, %mul3A_127 : f32
    %add3A_129 = arith.addf %add3A_125, %mul3A_128 : f32
    %mul3A_130 = arith.constant 4.096000e+03 : f32
    %mul3A_131 = arith.constant 4.096000e+03 : f32
    %mul3A_132 = arith.mulf %mul3A_130, %mul3A_131 : f32
    %div3A = arith.divf %add3A_67, %mul3A_132 : f32
    %mul3A_133 = arith.constant 4.096000e+03 : f32
    %mul3A_134 = arith.constant 4.096000e+03 : f32
    %mul3A_135 = arith.mulf %mul3A_133, %mul3A_134 : f32
    %div3A_136 = arith.divf %add3A_129, %mul3A_135 : f32
    %add3A_137 = arith.addf %div3A, %div3A_136 : f32
    %div3A_138 = arith.constant 2.000000e+00 : f32
    %div3A_139 = arith.divf %add3A_137, %div3A_138 : f32
    %swap3A = arith.constant 0 : index
    %swap3A_140 = arith.constant 0 : index
    %swap3A_141 = memref.load %arg7[%swap3A, %swap3A_140] : memref<1x1xf32, #tpu.memory_space<smem>>
    memref.store %div3A_139, %arg7[%swap3A, %swap3A_140] : memref<1x1xf32, #tpu.memory_space<smem>>
    return
  }
}

</mosaic_0001>

<sc_bundles>
// kernel: kernel.5.cloned.1.call-start
scs
__scs_entry_jumppad:
0x0: {  	(pc) =	sbr.rel $0x88, $3  }
0x1: {  	(tag) =	ssettag $0x0;
	lr =	simm.s32 $0x1  }
0x2: {  	[smem:$0x3F9F] =	sst lr;
	_ =	strace $0xD0000000  }
0x3: {  	_ = 	snop  }
0x4: {  	_ = 	snop  }
0x5: {  	_ = 	snop  }
0x6: {  	_ = 	snop  }
0x7: {  	_ = 	snop  }
__scs_overlays_trampoline_lowered:
0x8: {  	[smem:$0x3FAE] =	sst s0  }
0x9: {  	[smem:$0x3FAF] =	sst s1  }
0xa: {  	[smem:$0x3FB0] =	sst s2  }
0xb: {  	[smem:$0x3FB1] =	sst s3  }
0xc: {  	[smem:$0x3FB2] =	sst s4  }
0xd: {  	[smem:$0x3FB3] =	sst s5  }
0xe: {  	[smem:$0x3FB4] =	sst s6  }
0xf: {  	[smem:$0x3FB5] =	sst s7  }
0x10: {  	[smem:$0x3FB6] =	sst s8  }
0x11: {  	[smem:$0x3FB7] =	sst s9;
	s0 =	simm.s32 @!p0 $0x0  }
0x12: {  	s1 =	sld [smem:$0x3F9D];
	s0 =	simm.s32 @p0 $0x1  }
0x13: {  	[smem:$0x3FB8] =	sst s0;
	s0 =	simm.s32 @!p1 $0x0  }
0x14: {  	s2 =	sld [smem:$0x3F9C];
	s0 =	simm.s32 @p1 $0x1  }
0x15: {  	[smem:$0x3FB9] =	sst s0;
	s0 =	simm.s32 @!p2 $0x0  }
0x16: {  	s3 =	sld [smem:$0x3FDB];
	s0 =	simm.s32 @p2 $0x1  }
0x17: {  	s4 =	simm.s32 $0x1BF5;
	[smem:$0x3FBB] =	sst s0  }
0x18: {  	s0 =	sld [smem:$0x3F9E];
	_ =	swait.ge [sflag:s4], $0x0  }
0x19: {  	s7 =	sld [smem:$0x3F9F]  }
0x1a: {  	s8 =	sadd.s32 $0xFFFFE003, lr  }
0x1b: {  	s9 =	sadd.s32 $0xFFFFFEF7, lr;
	s5 =	simm.s32 $0xFFFFFFFF;
	p2 =	slt.u32 s8, $0xFFFFF086  }
0x1c: {  	p1 =	slt.u32 s9, $0xF7A;
	s5 =	simm.s32 @!p2 $0x0  }
0x1d: {  	s5 =	simm.s32 @p1 $0x1;
	p0 =	seq.s32 s7, s2  }
0x1e: {  	s7 =	smul.u32 @!p0 $0xF7A, s2;
	p2 =	seq.s32 @!p0 s5, $0x0  }
0x1f: {  	s9 =	smul.u32 $0xF7A, s1;
	s8 =	simm.s32 @!p0 $0x1BF5;
	p2 =	por !p2, p0  }
0x20: {  	[sflag:s8] =	ssyncset.s32 @!p0 $0xFFFFF086;
	s6 =	sadd.s32 @!p0 s3, s7;
	s7 =	simm.s32 @!p0 $0x108  }
0x21: {  	s3 =	sadd.s32 s3, s9;
	s6 =	sadd.s32 @!p0 $0x88, s6;
	s7 =	simm.s32 @p2 $0x1082  }
0x22: {  	[simem:s7], [sflag:s8] =	dma.local @!p0 [hbm:s6], $0xF7A  }
0x23: {  	s9 =	sor.u32 $0xD0000000, s2;
	s6 =	simm.s32 $0x108;
	_ =	swait.ge @!p0 [sflag:s8], $0x0  }
0x24: {  	s3 =	sadd.s32 $0x88, s3;
	s6 =	simm.s32 @!p1 $0x1082;
	[sflag:s4] =	ssyncset.s32 $0xFFFFF086  }
0x25: {  	[simem:s6], [sflag:s4] =	dma.local [hbm:s3], $0xF7A  }
0x26: {  	[smem:$0x3F9F] =	sst s1;
	(tag) =	ssettag s2;
	_ =	strace s9  }
0x27: {  	s1 =	sld [smem:$0x3FAF]  }
0x28: {  	s2 =	sld [smem:$0x3FB0]  }
0x29: {  	s4 =	sld [smem:$0x3FB2]  }
0x2a: {  	p0 =	seq.s32 s5, $0x0;
	s5 =	sld [smem:$0x3FB3]  }
0x2b: {  	s6 =	sld [smem:$0x3FB4]  }
0x2c: {  	s7 =	sld [smem:$0x3FB5]  }
0x2d: {  	s3 =	simm.s32 $0x108;
	s8 =	sld [smem:$0x3FB6]  }
0x2e: {  	s3 =	simm.s32 @!p0 $0x1082;
	s9 =	sld [smem:$0x3FB7]  }
0x2f: {  	lr =	sadd.s32 s0, s3;
	s0 =	sld [smem:$0x3FAE]  }
0x30: {  	s3 =	sld [smem:$0x3FB1]  }
0x31: {  	[smem:$0x3FBA] =	sst s10  }
0x32: {  	s10 =	sld [smem:$0x3FB8];
	_ =	sdelay $0x3  }
0x33: {  	p0 =	seq.s32 s10, $0x1;
	s10 =	sld [smem:$0x3FBA];
	_ =	sdelay $0x3  }
0x34: {  	[smem:$0x3FBA] =	sst s10  }
0x35: {  	s10 =	sld [smem:$0x3FB9];
	_ =	sdelay $0x3  }
0x36: {  	p1 =	seq.s32 s10, $0x1;
	s10 =	sld [smem:$0x3FBA];
	_ =	sdelay $0x3  }
0x37: {  	[smem:$0x3FBA] =	sst s10  }
0x38: {  	s10 =	sld [smem:$0x3FBB]  }
0x39: {  	_ = 	snop;
	(pc) =	sbr.ind lr, $3  }
0x3a: {  	_ = 	snop  }
0x3b: {  	_ = 	snop  }
0x3c: {  	p2 =	seq.s32 s10, $0x1;
	s10 =	sld [smem:$0x3FBA]  }
0x3d: {  	_ =	shalt  }
0x3e: {  	_ =	shalt  }
0x3f: {  	_ =	shalt  }
0x40: {  	_ =	shalt  }
0x41: {  	_ =	shalt  }
0x42: {  	_ =	shalt  }
0x43: {  	_ =	shalt  }
0x44: {  	_ =	shalt  }
0x45: {  	_ =	shalt  }
0x46: {  	_ =	shalt  }
0x47: {  	_ =	shalt  }
0x48: {  	_ =	shalt  }
0x49: {  	_ =	shalt  }
0x4a: {  	_ =	shalt  }
0x4b: {  	_ =	shalt  }
0x4c: {  	_ =	shalt  }
0x4d: {  	_ =	shalt  }
0x4e: {  	_ =	shalt  }
0x4f: {  	_ =	shalt  }
0x50: {  	_ =	shalt  }
0x51: {  	_ =	shalt  }
0x52: {  	_ =	shalt  }
0x53: {  	_ =	shalt  }
0x54: {  	_ =	shalt  }
0x55: {  	_ =	shalt  }
0x56: {  	_ =	shalt  }
0x57: {  	_ =	shalt  }
0x58: {  	_ =	shalt  }
0x59: {  	_ =	shalt  }
0x5a: {  	_ =	shalt  }
0x5b: {  	_ =	shalt  }
0x5c: {  	_ =	shalt  }
0x5d: {  	_ =	shalt  }
0x5e: {  	_ =	shalt  }
0x5f: {  	_ =	shalt  }
0x60: {  	_ =	shalt  }
0x61: {  	_ =	shalt  }
0x62: {  	_ =	shalt  }
0x63: {  	_ =	shalt  }
0x64: {  	_ =	shalt  }
0x65: {  	_ =	shalt  }
0x66: {  	_ =	shalt  }
0x67: {  	_ =	shalt  }
0x68: {  	_ =	shalt  }
0x69: {  	_ =	shalt  }
0x6a: {  	_ =	shalt  }
0x6b: {  	_ =	shalt  }
0x6c: {  	_ =	shalt  }
0x6d: {  	_ =	shalt  }
0x6e: {  	_ =	shalt  }
0x6f: {  	_ =	shalt  }
0x70: {  	_ =	shalt  }
0x71: {  	_ =	shalt  }
0x72: {  	_ =	shalt  }
0x73: {  	_ =	shalt  }
0x74: {  	_ =	shalt  }
0x75: {  	_ =	shalt  }
0x76: {  	_ =	shalt  }
0x77: {  	_ =	shalt  }
0x78: {  	_ =	shalt  }
0x79: {  	_ =	shalt  }
0x7a: {  	_ =	shalt  }
0x7b: {  	_ =	shalt  }
0x7c: {  	_ =	shalt  }
0x7d: {  	_ =	shalt  }
0x7e: {  	_ =	shalt  }
0x7f: {  	_ =	shalt  }
0x80: {  	_ =	shalt  }
0x81: {  	_ =	shalt  }
0x82: {  	_ =	shalt  }
0x83: {  	_ =	shalt  }
0x84: {  	_ =	shalt  }
0x85: {  	_ =	shalt  }
0x86: {  	_ =	shalt  }
0x87: {  	_ =	shalt  }
.Lfunc_end0:
.L_simem_size_0:
called_computation_lowered:
.L_overlay_start_0:
0x88: {  	s2 =	sld [smem:$0x3FD9]  }
0x89: {  	s3 =	sld [smem:$0x3FFE];
	_ =	sdelay $0x1  }
0x8a: {  	s1 =	srdreg.scid  }
0x8b: {  	s0 =	sand.u32 $0x1, s1  }
0x8c: {  	s17 =	sshll.u32 s0, $0xA;
	s2 =	sadd.s32 s3, s2  }
0x8d: {  	s2 =	sadd.s32 s2, s17  }
0x8e: {  	[smem:$0x3FC6] =	sst s2  }
0x8f: {  	_ = 	snop  }
0x90: {  	s2 =	sld [smem:$0x3FC9]  }
0x91: {  	s18 =	sld [smem:$0x3FC8];
	(tm) =	ssettm $0x1  }
0x92: {  	s4 =	sld [smem:$0x3FFB];
	_ =	sdelay $0x3  }
0x93: {  	_ =	strace s4  }
0x94: {  	s4 =	sld [smem:$0x3FFC];
	_ =	sdelay $0x3  }
0x95: {  	_ =	strace s4  }
0x96: {  	s4 =	sld [smem:$0x3FFD];
	_ =	sdelay $0x3  }
0x97: {  	_ =	strace s4  }
0x98: {  	_ =	strace $0x8FFFFFFF  }
0x99: {  	s19 =	sld [smem:$0x3FDB];
	_ =	sdelay $0x1  }
0x9a: {  	s5 =	simm.s32 $_scs_section_size  }
0x9b: {  	s6 =	simm.s32 $_size__tile_overlayer_lowered;
	s7 =	simm.s32 $_tile_overlayer_lowered  }
0x9c: {  	s22 =	simm.s32 $0x1BFF;
	s21 =	sshll.u32 s7, $0x1;
	s4 =	sadd.s32 s5, s19  }
0x9d: {  	s8 =	simm.s32 $0x0;
	s20 =	sshll.u32 s6, $0x1;
	s6 =	sadd.s32 s21, s4  }
0x9e: {  	[timem:s8], [sflag:s22] =	dma.local [hbm:s6], s20  }
0x9f: {  	_ =	swait.ge [sflag:s22], s20  }
0xa0: {  	s5 =	ssub.s32 $0x0, s20;
	[sflag:s22] =	ssyncset.done $0x0  }
0xa1: {  	[sflag:s22] =	ssyncadd.s32 s5;
	_ =	sdelay $0x1  }
0xa2: {  	s23 =	simm.s32 $0x1B8B  }
0xa3: {  	_ =	swait.ge [sflag:s23], $0x1  }
0xa4: {  	[sflag:s23] =	ssyncset.done $0x0  }
0xa5: {  	s25 =	simm.s32 $0x1B8E;
	s24 =	sld [smem:$0x3FFE];
	[sflag:s23] =	ssyncadd.s32 $0xFFFFFFFF  }
0xa6: {  	s26 =	simm.s32 $execute0_lowered;
	[smem:$0x3FD2] =	sst s25  }
0xa7: {  	s6 =	sshll.u32 s26, $0x1;
	_ =	strace $0x80000046;
	[dreg:$0x1] =	wrdreg $0xFFFFFFFF  }
0xa8: {  	s28 =	simm.s32 $_size_execute0_lowered;
	s4 =	sadd.s32 s4, s6;
	[dreg:$0x0] =	wrdreg $0x0  }
0xa9: {  	s6 =	sshll.u32 s28, $0x1;
	[dreg:$0x2] =	wrdreg s4  }
0xaa: {  	[dreg:$0x3] =	wrdreg s6  }
0xab: {  	[dreg:$0x4] =	wrdreg $0xC0  }
0xac: {  	_ =	task [dreg:s8], $0x5FFFF  }
0xad: {  	[dreg:$0x1] =	wrdreg $0xFFFFFFFF  }
0xae: {  	[dreg:$0x0] =	wrdreg $0x60  }
0xaf: {  	[dreg:$0x2] =	wrdreg s2  }
0xb0: {  	[dreg:$0x3] =	wrdreg s18  }
0xb1: {  	[dreg:$0x4] =	wrdreg s24  }
0xb2: {  	[dreg:$0x5] =	wrdreg $0x9  }
0xb3: {  	_ =	task.clear_ibuf [dreg:s8], $0x6FFFF;
	_ =	strace $0x90000046  }
0xb4: {  	s29 =	simm.s32 $0x9;
	_ =	strace $0x80000048  }
0xb5: {  	_ =	swait.ge [sflag:s29], $0x1  }
0xb6: {  	[sflag:s29] =	ssyncadd.s32 $0xFFFFFFFF  }
0xb7: {  	_ =	strace $0x90000048  }
0xb8: {  	_ =	sfence  }
0xb9: {  	s30 =	sld [smem:$0x0];
	_ =	sdelay $0x2  }
0xba: {  	s31 =	sshll.u32 s1, $0xD;
	s1 =	sshrl.u32 s1, $0x2  }
0xbb: {  	s3 =	sand.u32 $0x4000, s31;
	s1 =	sadd.s32 s1, s30  }
0xbc: {  	s0 =	sor.u32 s3, s0;
	s1 =	sshll.u32 s1, $0x11  }
0xbd: {  	s0 =	sor.u32 s1, s0  }
0xbe: {  	s0 =	sadd.s32 $0x8F2B, s0  }
0xbf: {  	[sflag:s0] =	ssyncadd.remote.s32 $0x1  }
0xc0: {  	_ =	sfence.sel $0xFFFF  }
0xc1: {  	[dreg:$0x0] =	wrdreg $0xFFFFFFFF;
	(pc) =	sbr.abs _section_cstart, $3  }
0xc2: {  	[dreg:$0x1] =	wrdreg $0xFFFFFFFF  }
0xc3: {  	_ =	task.clear_ibuf [dreg:s8], $0x2FFFF;
	_ =	strace $0x9FFFFFFF  }
0xc4: {  	(tm) =	ssettm $0x7FFFFFFF  }
0xc5: {  	_ =	shalt  }
tec
execute0_lowered:
.L_overlay_start_1:
0x0: {  	(tag) =	ssettag $0x1  }
0x1: {  	s1 =	rddreg [dreg:$0x0]  }
0x2: {  	s3 =	rddreg [dreg:$0x1]  }
0x3: {  	s5 =	rddreg [dreg:$0x2]  }
0x4: {  	s0 =	rddreg [dreg:$0x3]  }
0x5: {  	s6 =	srdreg.scid;
	s2 =	stileid.u32;
	s4 =	simm.s32 $0x0  }
0x6: {  	s12 =	simm.s32 $0x3;
	s13 =	simm.s32 $0x80;
	s14 =	simm.s32 $0x100  }
0x7: {  	s15 =	simm.s32 $0x4100;
	s16 =	simm.s32 $0x8100;
	s17 =	simm.s32 $0xC100  }
0x8: {  	s18 =	simm.s32 $0x1;
	s19 =	simm.s32 $0x2;
	s20 =	simm.s32 $0x10100  }
0x9: {  	s21 =	simm.s32 $0x10900;
	s6 =	sand.u32 $0x1, s6;
	s7 =	sshll.u32 s2, $0x1  }
0xa: {  	s22 =	simm.s32 $0x0;
	[smem:$0x7FF] =	sst s4;
	s7 =	sor.u32 s6, s7  }
0xb: {  	_ =	strace $0x80000047;
	s6 =	ssub.s32 $0x2, s6;
	s8 =	sshll.u32 s7, $0x8  }
0xc: {  	s30 =	sshll.u32 s7, $0x4;
	s9 =	sshrl.u32 s6, $0x1;
	s31 =	sshll.u32 s7, $0xB  }
0xd: {  	s10 =	sadd.s32 s8, s5;
	s5 =	sadd.s32 s5, s30;
	s11 =	ssub.s32 s6, s9  }
0xe: {  	s7 =	sadd.s32 s1, s31;
	s8 =	sadd.s32 s3, s31;
	s6 =	sadd.s32 $0x200, s5  }
0xf: {  	s9 =	sadd.s32 $0x400, s10;
	s10 =	sadd.s32 $0x2400, s10;
	s11 =	smax.u32 s11, $0x1  }
.LBB2_1:
0x10: {  	[tilespmem:s4], [sflag:$0x3] =	stream.linear.gather [hbm4b:s6+s4], $0x80, $0x38;
	[tilespmem:$0x11100] =	vst v63  }
0x11: {  	_ =	swait.ge [sflag:s12], $0x80  }
0x12: {  	[sflag:s12] =	ssyncset.done $0x0  }
0x13: {  	[sflag:s12] =	ssyncadd.s32 $0xFFFFFF80  }
0x14: {  	[tilespmem:s13], [sflag:$0x3] =	stream.linear.gather [hbm4b:s5+s4], $0x80, $0x38;
	[tilespmem:$0x11100] =	vst v63  }
0x15: {  	_ =	swait.ge [sflag:s12], $0x80  }
0x16: {  	[sflag:s12] =	ssyncset.done $0x0  }
0x17: {  	[sflag:s12] =	ssyncadd.s32 $0xFFFFFF80  }
0x18: {  	v0 =	vld [tilespmem:$0x0]  }
0x19: {  	v1 =	vld [tilespmem:$0x80]  }
0x1a: {  	v2 =	vld [tilespmem:$0x10]  }
0x1b: {  	v3 =	vld [tilespmem:$0x90]  }
0x1c: {  	v4 =	vld [tilespmem:$0x20]  }
0x1d: {  	v5 =	vld [tilespmem:$0xA0];
	v0 =	vand.u32 $0xFFF, v0  }
0x1e: {  	v40 =	vld [tilespmem:$0x30];
	v39 =	vand.u32 $0xFFF, v1;
	[tilespmem:$0x0] =	vst v0  }
0x1f: {  	v42 =	vld [tilespmem:$0xB0];
	v41 =	vand.u32 $0xFFF, v2;
	[tilespmem:$0x80] =	vst v39  }
0x20: {  	v44 =	vld [tilespmem:$0x40];
	v43 =	vand.u32 $0xFFF, v3;
	[tilespmem:$0x10] =	vst v41  }
0x21: {  	v46 =	vld [tilespmem:$0xC0];
	v45 =	vand.u32 $0xFFF, v4;
	[tilespmem:$0x90] =	vst v43  }
0x22: {  	v48 =	vld [tilespmem:$0x50];
	v47 =	vand.u32 $0xFFF, v5;
	[tilespmem:$0x20] =	vst v45  }
0x23: {  	v50 =	vld [tilespmem:$0xD0];
	v49 =	vand.u32 $0xFFF, v40;
	[tilespmem:$0xA0] =	vst v47  }
0x24: {  	v52 =	vld [tilespmem:$0x60];
	v51 =	vand.u32 $0xFFF, v42;
	[tilespmem:$0x30] =	vst v49  }
0x25: {  	v54 =	vld [tilespmem:$0xE0];
	v53 =	vand.u32 $0xFFF, v44;
	[tilespmem:$0xB0] =	vst v51  }
0x26: {  	v56 =	vld [tilespmem:$0x70];
	v55 =	vand.u32 $0xFFF, v46;
	[tilespmem:$0x40] =	vst v53  }
0x27: {  	v58 =	vld [tilespmem:$0xF0];
	v57 =	vand.u32 $0xFFF, v48;
	[tilespmem:$0xC0] =	vst v55  }
0x28: {  	v59 =	vand.u32 $0xFFF, v50;
	[tilespmem:$0x50] =	vst v57  }
0x29: {  	v60 =	vand.u32 $0xFFF, v52;
	[tilespmem:$0xD0] =	vst v59  }
0x2a: {  	v61 =	vand.u32 $0xFFF, v54;
	[tilespmem:$0x60] =	vst v60  }
0x2b: {  	v62 =	vand.u32 $0xFFF, v56;
	[tilespmem:$0xE0] =	vst v61  }
0x2c: {  	v63 =	vand.u32 $0xFFF, v58;
	[tilespmem:$0x70] =	vst v62  }
0x2d: {  	[tilespmem:$0xF0] =	vst v63  }
0x2e: {  	[tilespmem:s14], [sflag:$0x1] =	stream.indirect.gather [hbm4b:s3+s13], $0x80, s4, s13, $0xb8;
	[tilespmem:$0x11100] =	vst v63  }
0x2f: {  	_ = 	snop  }
0x30: {  	[tilespmem:s15], [sflag:$0x2] =	stream.indirect.gather [hbm4b:s1+s13], $0x80, s13, s13, $0xb8;
	[tilespmem:$0x11100] =	vst v63  }
0x31: {  	_ = 	snop  }
0x32: {  	[tilespmem:s16], [sflag:$0x3] =	stream.linear.gather [hbm4b:s7+s4], $0x4000, $0x38;
	[tilespmem:$0x11100] =	vst v63  }
0x33: {  	_ =	swait.ge [sflag:s12], $0x4000  }
0x34: {  	[sflag:s12] =	ssyncset.done $0x0  }
0x35: {  	[sflag:s12] =	ssyncadd.s32 $0xFFFFC000  }
0x36: {  	[tilespmem:s17], [sflag:$0x3] =	stream.linear.gather [hbm4b:s8+s4], $0x4000, $0x38;
	[tilespmem:$0x11100] =	vst v63  }
0x37: {  	_ =	swait.ge [sflag:s12], $0x4000  }
0x38: {  	[sflag:s12] =	ssyncset.done $0x0  }
0x39: {  	[sflag:s12] =	ssyncadd.s32 $0xFFFFC000  }
0x3a: {  	_ =	swait.ge [sflag:s18], $0x4000  }
0x3b: {  	[sflag:s18] =	ssyncset.done $0x0  }
0x3c: {  	s23 =	simm.s32 $0x10120;
	s24 =	simm.s32 $0x0;
	[sflag:s18] =	ssyncadd.s32 $0xFFFFC000  }
.LBB2_2:
0x3d: {  	s25 =	sshra.s32 s24, $0x2  }
0x3e: {  	v0 =	vld [tilespmem:s25+$0x100]  }
0x3f: {  	v1 =	vld [tilespmem:s25+$0x8100]  }
0x40: {  	v2 =	vld [tilespmem:s25+$0x110]  }
0x41: {  	v3 =	vld [tilespmem:s25+$0x8110]  }
0x42: {  	v4 =	vld [tilespmem:s25+$0x120]  }
0x43: {  	v5 =	vld [tilespmem:s25+$0x8120]  }
0x44: {  	v6 =	vld [tilespmem:s25+$0x130]  }
0x45: {  	v7 =	vld [tilespmem:s25+$0x8130]  }
0x46: {  	v28 =	vld [tilespmem:s25+$0x140];
	v0 =	vsub.f32 v0, v1;
	v27 =	vsub.f32 v2, v3  }
0x47: {  	v29 =	vld [tilespmem:s25+$0x8140]  }
0x48: {  	v30 =	vld [tilespmem:s25+$0x150];
	v4 =	vsub.f32 v4, v5;
	v0 =	vmul.f32 v0, v0;
	v1 =	vmul.f32 v27, v27  }
0x49: {  	v8 =	vld [tilespmem:s25+$0x8150]  }
0x4a: {  	v33 =	vld [tilespmem:s25+$0x160];
	v32 =	vsub.f32 v6, v7;
	v31 =	vmul.f32 v4, v4;
	v0 =	vadd.f32 v1, v0  }
0x4b: {  	v34 =	vld [tilespmem:s25+$0x8160]  }
0x4c: {  	v36 =	vld [tilespmem:s25+$0x170];
	v2 =	vsub.f32 v28, v29;
	v35 =	vmul.f32 v32, v32;
	v0 =	vadd.f32 v31, v0  }
0x4d: {  	v37 =	vld [tilespmem:s25+$0x8170]  }
0x4e: {  	v39 =	vsub.f32 v30, v8;
	v38 =	vmul.f32 v2, v2;
	v0 =	vadd.f32 v35, v0;
	_ =	sdelay $0x1  }
0x4f: {  	v41 =	vsub.f32 v33, v34;
	v40 =	vmul.f32 v39, v39;
	v0 =	vadd.f32 v38, v0;
	_ =	sdelay $0x1  }
0x50: {  	v43 =	vsub.f32 v36, v37;
	v42 =	vmul.f32 v41, v41;
	v0 =	vadd.f32 v40, v0;
	_ =	sdelay $0x1  }
0x51: {  	v44 =	vmul.f32 v43, v43;
	v0 =	vadd.f32 v42, v0;
	_ =	sdelay $0x1  }
0x52: {  	v0 =	vadd.f32 v44, v0;
	_ =	sdelay $0x1  }
0x53: {  	[tilespmem:s23+$0xFFFFFFE0] =	vst v0  }
0x54: {  	v0 =	vld [tilespmem:s25+$0x180]  }
0x55: {  	v45 =	vld [tilespmem:s25+$0x8180]  }
0x56: {  	v46 =	vld [tilespmem:s25+$0x190]  }
0x57: {  	v47 =	vld [tilespmem:s25+$0x8190]  }
0x58: {  	v48 =	vld [tilespmem:s25+$0x1A0]  }
0x59: {  	v49 =	vld [tilespmem:s25+$0x81A0]  }
0x5a: {  	v50 =	vld [tilespmem:s25+$0x1B0]  }
0x5b: {  	v51 =	vld [tilespmem:s25+$0x81B0]  }
0x5c: {  	v53 =	vld [tilespmem:s25+$0x1C0];
	v0 =	vsub.f32 v0, v45;
	v52 =	vsub.f32 v46, v47  }
0x5d: {  	v54 =	vld [tilespmem:s25+$0x81C0]  }
0x5e: {  	v55 =	vld [tilespmem:s25+$0x1D0];
	v4 =	vsub.f32 v48, v49;
	v0 =	vmul.f32 v0, v0;
	v1 =	vmul.f32 v52, v52  }
0x5f: {  	v56 =	vld [tilespmem:s25+$0x81D0]  }
0x60: {  	v59 =	vld [tilespmem:s25+$0x1E0];
	v58 =	vsub.f32 v50, v51;
	v57 =	vmul.f32 v4, v4;
	v0 =	vadd.f32 v1, v0  }
0x61: {  	v60 =	vld [tilespmem:s25+$0x81E0]  }
0x62: {  	v62 =	vld [tilespmem:s25+$0x1F0];
	v2 =	vsub.f32 v53, v54;
	v61 =	vmul.f32 v58, v58;
	v0 =	vadd.f32 v57, v0  }
0x63: {  	v63 =	vld [tilespmem:s25+$0x81F0]  }
0x64: {  	v10 =	vsub.f32 v55, v56;
	v9 =	vmul.f32 v2, v2;
	v0 =	vadd.f32 v61, v0;
	_ =	sdelay $0x1  }
0x65: {  	v12 =	vsub.f32 v59, v60;
	v11 =	vmul.f32 v10, v10;
	v0 =	vadd.f32 v9, v0;
	_ =	sdelay $0x1  }
0x66: {  	v14 =	vsub.f32 v62, v63;
	v13 =	vmul.f32 v12, v12;
	v0 =	vadd.f32 v11, v0;
	_ =	sdelay $0x1  }
0x67: {  	v15 =	vmul.f32 v14, v14;
	v0 =	vadd.f32 v13, v0;
	_ =	sdelay $0x1  }
0x68: {  	v0 =	vadd.f32 v15, v0;
	_ =	sdelay $0x1  }
0x69: {  	[tilespmem:s23+$0xFFFFFFF0] =	vst v0  }
0x6a: {  	v0 =	vld [tilespmem:s25+$0x200]  }
0x6b: {  	v16 =	vld [tilespmem:s25+$0x8200]  }
0x6c: {  	v17 =	vld [tilespmem:s25+$0x210]  }
0x6d: {  	v18 =	vld [tilespmem:s25+$0x8210]  }
0x6e: {  	v19 =	vld [tilespmem:s25+$0x220]  }
0x6f: {  	v20 =	vld [tilespmem:s25+$0x8220]  }
0x70: {  	v21 =	vld [tilespmem:s25+$0x230]  }
0x71: {  	v22 =	vld [tilespmem:s25+$0x8230]  }
0x72: {  	v24 =	vld [tilespmem:s25+$0x240];
	v0 =	vsub.f32 v0, v16;
	v23 =	vsub.f32 v17, v18  }
0x73: {  	v25 =	vld [tilespmem:s25+$0x8240]  }
0x74: {  	v26 =	vld [tilespmem:s25+$0x250];
	v4 =	vsub.f32 v19, v20;
	v0 =	vmul.f32 v0, v0;
	v1 =	vmul.f32 v23, v23  }
0x75: {  	v27 =	vld [tilespmem:s25+$0x8250]  }
0x76: {  	v30 =	vld [tilespmem:s25+$0x260];
	v29 =	vsub.f32 v21, v22;
	v28 =	vmul.f32 v4, v4;
	v0 =	vadd.f32 v1, v0  }
0x77: {  	v31 =	vld [tilespmem:s25+$0x8260]  }
0x78: {  	v33 =	vld [tilespmem:s25+$0x270];
	v2 =	vsub.f32 v24, v25;
	v32 =	vmul.f32 v29, v29;
	v0 =	vadd.f32 v28, v0  }
0x79: {  	v34 =	vld [tilespmem:s25+$0x8270]  }
0x7a: {  	v36 =	vsub.f32 v26, v27;
	v35 =	vmul.f32 v2, v2;
	v0 =	vadd.f32 v32, v0;
	_ =	sdelay $0x1  }
0x7b: {  	v38 =	vsub.f32 v30, v31;
	v37 =	vmul.f32 v36, v36;
	v0 =	vadd.f32 v35, v0;
	_ =	sdelay $0x1  }
0x7c: {  	v40 =	vsub.f32 v33, v34;
	v39 =	vmul.f32 v38, v38;
	v0 =	vadd.f32 v37, v0;
	_ =	sdelay $0x1  }
0x7d: {  	v41 =	vmul.f32 v40, v40;
	v0 =	vadd.f32 v39, v0;
	_ =	sdelay $0x1  }
0x7e: {  	v0 =	vadd.f32 v41, v0;
	_ =	sdelay $0x1  }
0x7f: {  	[tilespmem:s23+$0x0] =	vst v0  }
0x80: {  	v0 =	vld [tilespmem:s25+$0x280]  }
0x81: {  	v42 =	vld [tilespmem:s25+$0x8280]  }
0x82: {  	v43 =	vld [tilespmem:s25+$0x290]  }
0x83: {  	v44 =	vld [tilespmem:s25+$0x8290]  }
0x84: {  	v45 =	vld [tilespmem:s25+$0x2A0]  }
0x85: {  	v46 =	vld [tilespmem:s25+$0x82A0]  }
0x86: {  	v47 =	vld [tilespmem:s25+$0x2B0]  }
0x87: {  	v48 =	vld [tilespmem:s25+$0x82B0]  }
0x88: {  	v50 =	vld [tilespmem:s25+$0x2C0];
	v0 =	vsub.f32 v0, v42;
	v49 =	vsub.f32 v43, v44  }
0x89: {  	v51 =	vld [tilespmem:s25+$0x82C0]  }
0x8a: {  	v52 =	vld [tilespmem:s25+$0x2D0];
	v4 =	vsub.f32 v45, v46;
	v0 =	vmul.f32 v0, v0;
	v1 =	vmul.f32 v49, v49  }
0x8b: {  	v53 =	vld [tilespmem:s25+$0x82D0]  }
0x8c: {  	v56 =	vld [tilespmem:s25+$0x2E0];
	v55 =	vsub.f32 v47, v48;
	v54 =	vmul.f32 v4, v4;
	v0 =	vadd.f32 v1, v0  }
0x8d: {  	v57 =	vld [tilespmem:s25+$0x82E0]  }
0x8e: {  	v59 =	vld [tilespmem:s25+$0x2F0];
	v2 =	vsub.f32 v50, v51;
	v58 =	vmul.f32 v55, v55;
	v0 =	vadd.f32 v54, v0  }
0x8f: {  	v60 =	vld [tilespmem:s25+$0x82F0]  }
0x90: {  	v61 =	vsub.f32 v52, v53;
	v2 =	vmul.f32 v2, v2;
	v0 =	vadd.f32 v58, v0;
	_ =	sdelay $0x1  }
0x91: {  	v62 =	vsub.f32 v56, v57;
	v1 =	vmul.f32 v61, v61;
	v0 =	vadd.f32 v2, v0;
	_ =	sdelay $0x1  }
0x92: {  	v63 =	vsub.f32 v59, v60;
	v2 =	vmul.f32 v62, v62;
	v0 =	vadd.f32 v1, v0  }
0x93: {  	p0 =	sne.s32 s24, $0xF800  }
.Ltmp0:
0x94: {  	v1 =	vmul.f32 v63, v63;
	v0 =	vadd.f32 v2, v0;
	(pc) =	sbr.rel @p0 .LBB2_2-.Ltmp0, $3  }
0x95: {  	_ = 	snop  }
0x96: {  	v0 =	vadd.f32 v1, v0;
	_ =	sdelay $0x1  }
0x97: {  	s24 =	sadd.s32 $0x800, s24;
	[tilespmem:s23+$0x10] =	vst v0;
	s23 =	sadd.s32 $0x40, s23  }
0x98: {  	_ =	swait.ge [sflag:s19], $0x4000  }
0x99: {  	[sflag:s19] =	ssyncset.done $0x0  }
0x9a: {  	s23 =	simm.s32 $0x0;
	s24 =	simm.s32 $0x10920;
	[sflag:s19] =	ssyncadd.s32 $0xFFFFC000  }
.LBB2_4:
0x9b: {  	s25 =	sshra.s32 s23, $0x2  }
0x9c: {  	v0 =	vld [tilespmem:s25+$0x4100]  }
0x9d: {  	v1 =	vld [tilespmem:s25+$0xC100]  }
0x9e: {  	v2 =	vld [tilespmem:s25+$0x4110]  }
0x9f: {  	v3 =	vld [tilespmem:s25+$0xC110]  }
0xa0: {  	v4 =	vld [tilespmem:s25+$0x4120]  }
0xa1: {  	v5 =	vld [tilespmem:s25+$0xC120]  }
0xa2: {  	v6 =	vld [tilespmem:s25+$0x4130]  }
0xa3: {  	v7 =	vld [tilespmem:s25+$0xC130]  }
0xa4: {  	v28 =	vld [tilespmem:s25+$0x4140];
	v0 =	vsub.f32 v0, v1;
	v27 =	vsub.f32 v2, v3  }
0xa5: {  	v29 =	vld [tilespmem:s25+$0xC140]  }
0xa6: {  	v30 =	vld [tilespmem:s25+$0x4150];
	v4 =	vsub.f32 v4, v5;
	v0 =	vmul.f32 v0, v0;
	v1 =	vmul.f32 v27, v27  }
0xa7: {  	v8 =	vld [tilespmem:s25+$0xC150]  }
0xa8: {  	v33 =	vld [tilespmem:s25+$0x4160];
	v32 =	vsub.f32 v6, v7;
	v31 =	vmul.f32 v4, v4;
	v0 =	vadd.f32 v1, v0  }
0xa9: {  	v34 =	vld [tilespmem:s25+$0xC160]  }
0xaa: {  	v36 =	vld [tilespmem:s25+$0x4170];
	v2 =	vsub.f32 v28, v29;
	v35 =	vmul.f32 v32, v32;
	v0 =	vadd.f32 v31, v0  }
0xab: {  	v37 =	vld [tilespmem:s25+$0xC170]  }
0xac: {  	v39 =	vsub.f32 v30, v8;
	v38 =	vmul.f32 v2, v2;
	v0 =	vadd.f32 v35, v0;
	_ =	sdelay $0x1  }
0xad: {  	v41 =	vsub.f32 v33, v34;
	v40 =	vmul.f32 v39, v39;
	v0 =	vadd.f32 v38, v0;
	_ =	sdelay $0x1  }
0xae: {  	v43 =	vsub.f32 v36, v37;
	v42 =	vmul.f32 v41, v41;
	v0 =	vadd.f32 v40, v0;
	_ =	sdelay $0x1  }
0xaf: {  	v44 =	vmul.f32 v43, v43;
	v0 =	vadd.f32 v42, v0;
	_ =	sdelay $0x1  }
0xb0: {  	v0 =	vadd.f32 v44, v0;
	_ =	sdelay $0x1  }
0xb1: {  	[tilespmem:s24+$0xFFFFFFE0] =	vst v0  }
0xb2: {  	v0 =	vld [tilespmem:s25+$0x4180]  }
0xb3: {  	v45 =	vld [tilespmem:s25+$0xC180]  }
0xb4: {  	v46 =	vld [tilespmem:s25+$0x4190]  }
0xb5: {  	v47 =	vld [tilespmem:s25+$0xC190]  }
0xb6: {  	v48 =	vld [tilespmem:s25+$0x41A0]  }
0xb7: {  	v49 =	vld [tilespmem:s25+$0xC1A0]  }
0xb8: {  	v50 =	vld [tilespmem:s25+$0x41B0]  }
0xb9: {  	v51 =	vld [tilespmem:s25+$0xC1B0]  }
0xba: {  	v53 =	vld [tilespmem:s25+$0x41C0];
	v0 =	vsub.f32 v0, v45;
	v52 =	vsub.f32 v46, v47  }
0xbb: {  	v54 =	vld [tilespmem:s25+$0xC1C0]  }
0xbc: {  	v55 =	vld [tilespmem:s25+$0x41D0];
	v4 =	vsub.f32 v48, v49;
	v0 =	vmul.f32 v0, v0;
	v1 =	vmul.f32 v52, v52  }
0xbd: {  	v56 =	vld [tilespmem:s25+$0xC1D0]  }
0xbe: {  	v59 =	vld [tilespmem:s25+$0x41E0];
	v58 =	vsub.f32 v50, v51;
	v57 =	vmul.f32 v4, v4;
	v0 =	vadd.f32 v1, v0  }
0xbf: {  	v60 =	vld [tilespmem:s25+$0xC1E0]  }
0xc0: {  	v62 =	vld [tilespmem:s25+$0x41F0];
	v2 =	vsub.f32 v53, v54;
	v61 =	vmul.f32 v58, v58;
	v0 =	vadd.f32 v57, v0  }
0xc1: {  	v63 =	vld [tilespmem:s25+$0xC1F0]  }
0xc2: {  	v10 =	vsub.f32 v55, v56;
	v9 =	vmul.f32 v2, v2;
	v0 =	vadd.f32 v61, v0;
	_ =	sdelay $0x1  }
0xc3: {  	v12 =	vsub.f32 v59, v60;
	v11 =	vmul.f32 v10, v10;
	v0 =	vadd.f32 v9, v0;
	_ =	sdelay $0x1  }
0xc4: {  	v14 =	vsub.f32 v62, v63;
	v13 =	vmul.f32 v12, v12;
	v0 =	vadd.f32 v11, v0;
	_ =	sdelay $0x1  }
0xc5: {  	v15 =	vmul.f32 v14, v14;
	v0 =	vadd.f32 v13, v0;
	_ =	sdelay $0x1  }
0xc6: {  	v0 =	vadd.f32 v15, v0;
	_ =	sdelay $0x1  }
0xc7: {  	[tilespmem:s24+$0xFFFFFFF0] =	vst v0  }
0xc8: {  	v0 =	vld [tilespmem:s25+$0x4200]  }
0xc9: {  	v16 =	vld [tilespmem:s25+$0xC200]  }
0xca: {  	v17 =	vld [tilespmem:s25+$0x4210]  }
0xcb: {  	v18 =	vld [tilespmem:s25+$0xC210]  }
0xcc: {  	v19 =	vld [tilespmem:s25+$0x4220]  }
0xcd: {  	v20 =	vld [tilespmem:s25+$0xC220]  }
0xce: {  	v21 =	vld [tilespmem:s25+$0x4230]  }
0xcf: {  	v22 =	vld [tilespmem:s25+$0xC230]  }
0xd0: {  	v24 =	vld [tilespmem:s25+$0x4240];
	v0 =	vsub.f32 v0, v16;
	v23 =	vsub.f32 v17, v18  }
0xd1: {  	v25 =	vld [tilespmem:s25+$0xC240]  }
0xd2: {  	v26 =	vld [tilespmem:s25+$0x4250];
	v4 =	vsub.f32 v19, v20;
	v0 =	vmul.f32 v0, v0;
	v1 =	vmul.f32 v23, v23  }
0xd3: {  	v27 =	vld [tilespmem:s25+$0xC250]  }
0xd4: {  	v30 =	vld [tilespmem:s25+$0x4260];
	v29 =	vsub.f32 v21, v22;
	v28 =	vmul.f32 v4, v4;
	v0 =	vadd.f32 v1, v0  }
0xd5: {  	v31 =	vld [tilespmem:s25+$0xC260]  }
0xd6: {  	v33 =	vld [tilespmem:s25+$0x4270];
	v2 =	vsub.f32 v24, v25;
	v32 =	vmul.f32 v29, v29;
	v0 =	vadd.f32 v28, v0  }
0xd7: {  	v34 =	vld [tilespmem:s25+$0xC270]  }
0xd8: {  	v36 =	vsub.f32 v26, v27;
	v35 =	vmul.f32 v2, v2;
	v0 =	vadd.f32 v32, v0;
	_ =	sdelay $0x1  }
0xd9: {  	v38 =	vsub.f32 v30, v31;
	v37 =	vmul.f32 v36, v36;
	v0 =	vadd.f32 v35, v0;
	_ =	sdelay $0x1  }
0xda: {  	v40 =	vsub.f32 v33, v34;
	v39 =	vmul.f32 v38, v38;
	v0 =	vadd.f32 v37, v0;
	_ =	sdelay $0x1  }
0xdb: {  	v41 =	vmul.f32 v40, v40;
	v0 =	vadd.f32 v39, v0;
	_ =	sdelay $0x1  }
0xdc: {  	v0 =	vadd.f32 v41, v0;
	_ =	sdelay $0x1  }
0xdd: {  	[tilespmem:s24+$0x0] =	vst v0  }
0xde: {  	v0 =	vld [tilespmem:s25+$0x4280]  }
0xdf: {  	v42 =	vld [tilespmem:s25+$0xC280]  }
0xe0: {  	v43 =	vld [tilespmem:s25+$0x4290]  }
0xe1: {  	v44 =	vld [tilespmem:s25+$0xC290]  }
0xe2: {  	v45 =	vld [tilespmem:s25+$0x42A0]  }
0xe3: {  	v46 =	vld [tilespmem:s25+$0xC2A0]  }
0xe4: {  	v47 =	vld [tilespmem:s25+$0x42B0]  }
0xe5: {  	v48 =	vld [tilespmem:s25+$0xC2B0]  }
0xe6: {  	v50 =	vld [tilespmem:s25+$0x42C0];
	v0 =	vsub.f32 v0, v42;
	v49 =	vsub.f32 v43, v44  }
0xe7: {  	v51 =	vld [tilespmem:s25+$0xC2C0]  }
0xe8: {  	v52 =	vld [tilespmem:s25+$0x42D0];
	v4 =	vsub.f32 v45, v46;
	v0 =	vmul.f32 v0, v0;
	v1 =	vmul.f32 v49, v49  }
0xe9: {  	v53 =	vld [tilespmem:s25+$0xC2D0]  }
0xea: {  	v56 =	vld [tilespmem:s25+$0x42E0];
	v55 =	vsub.f32 v47, v48;
	v54 =	vmul.f32 v4, v4;
	v0 =	vadd.f32 v1, v0  }
0xeb: {  	v57 =	vld [tilespmem:s25+$0xC2E0]  }
0xec: {  	v59 =	vld [tilespmem:s25+$0x42F0];
	v2 =	vsub.f32 v50, v51;
	v58 =	vmul.f32 v55, v55;
	v0 =	vadd.f32 v54, v0  }
0xed: {  	v60 =	vld [tilespmem:s25+$0xC2F0]  }
0xee: {  	v61 =	vsub.f32 v52, v53;
	v2 =	vmul.f32 v2, v2;
	v0 =	vadd.f32 v58, v0;
	_ =	sdelay $0x1  }
0xef: {  	v62 =	vsub.f32 v56, v57;
	v1 =	vmul.f32 v61, v61;
	v0 =	vadd.f32 v2, v0;
	_ =	sdelay $0x1  }
0xf0: {  	v63 =	vsub.f32 v59, v60;
	v2 =	vmul.f32 v62, v62;
	v0 =	vadd.f32 v1, v0  }
0xf1: {  	p0 =	sne.s32 s23, $0xF800  }
.Ltmp1:
0xf2: {  	v1 =	vmul.f32 v63, v63;
	v0 =	vadd.f32 v2, v0;
	(pc) =	sbr.rel @p0 .LBB2_4-.Ltmp1, $3  }
0xf3: {  	_ = 	snop  }
0xf4: {  	v0 =	vadd.f32 v1, v0;
	_ =	sdelay $0x1  }
0xf5: {  	s23 =	sadd.s32 $0x800, s23;
	[tilespmem:s24+$0x10] =	vst v0;
	s24 =	sadd.s32 $0x40, s24  }
0xf6: {  	[hbm4b:s9+s4] =	stream.linear.scatter [tilespmem:s20], [sflag:$0x3], $0x800, $0x38;
	[tilespmem:$0x11100] =	vst v63  }
0xf7: {  	s22 =	sadd.s32 $0x1, s22;
	_ =	swait.ge [sflag:s12], $0x800  }
0xf8: {  	p0 =	sne.s32 s22, s11;
	[sflag:s12] =	ssyncset.done $0x0  }
.Ltmp2:
0xf9: {  	[sflag:s12] =	ssyncadd.s32 $0xFFFFF800;
	(pc) =	sbr.rel @p0 .LBB2_1-.Ltmp2, $4  }
0xfa: {  	[hbm4b:s10+s4] =	stream.linear.scatter [tilespmem:s21], [sflag:$0x3], $0x800, $0x38;
	[tilespmem:$0x11100] =	vst v63  }
0xfb: {  	_ =	swait.ge [sflag:s12], $0x800  }
0xfc: {  	[sflag:s12] =	ssyncset.done $0x0  }
0xfd: {  	[sflag:s12] =	ssyncadd.s32 $0xFFFFF800  }
0xfe: {  	_ =	sfence.sel $0x180000  }
0xff: {  	[bflag:$0x0] =	sbarrier.arrive $0xFFFF  }
0x100: {  	p0 =	sne.s32 s2, $0x0;
	_ =	strace $0x90000047  }
0x101: {  	s0 =	sadd.s32 @!p0 $0x100000, s0;
	[bflag:$0x2] =	sbarrier.arrive $0xFFFF  }
0x102: {  	[sflag:s0] =	ssyncadd.tile.s32 @!p0 $0x1;
	_ =	shalt  }
.Lfunc_end2:
_tile_overlayer_lowered:
.L_overlay_start_2:
0x103: {  	(tag) =	ssettag $0x2  }
0x104: {  	s0 =	rddreg [dreg:$0x0];
	s2 =	stileid.u32  }
0x105: {  	s1 =	rddreg [dreg:$0x1];
	p0 =	sne.s32 s2, $0x0  }
0x106: {  	s3 =	rddreg [dreg:$0x2];
	[bflag:$0x3] =	sbarrier.arrive $0xFFFF;
	s2 =	simm.s32 @!p0 $0x1C03  }
0x107: {  	[timem:s3], [sflag:s2] =	dma.local @!p0 [hbm:s0], s1  }
0x108: {  	s0 =	simm.s32 @!p0 $0x3  }
0x109: {  	_ =	swait.ge @!p0 [sflag:s0], s1  }
0x10a: {  	s1 =	ssub.s32 @!p0 $0x0, s1;
	[sflag:s0] =	ssyncset.done @!p0 $0x0  }
0x10b: {  	[sflag:s0] =	ssyncadd.s32 @!p0 s1  }
0x10c: {  	[bflag:$0x3] =	sbarrier.arrive $0xFFFF  }
0x10d: {  	_ =	shalt  }

</sc_bundles>
